<compile_context>
chip_gen: v7x
topology: tpu7x:2x2x1
jax: 0.10.2.dev20260603
libtpu: 0.0.44.dev20260713+nightly
codegen_flags: <defaults>
</compile_context>

<pallas_src>
import functools

import jax
import jax.numpy as jnp
from jax import lax
from jax.experimental import pallas as pl
from jax.experimental.pallas import tpu as pltpu
from jax.experimental.pallas import tpu_sc as plsc

_LANES = 16
_FPW = 2
_UNROLL = 8


def _body(nc, table_hbm, words_hbm, out_hbm, trow, ibuf, obuf, isem, osem):
    hist, batch = words_hbm.shape
    wid = lax.axis_index("s") * nc + lax.axis_index("c")
    nvec = batch // _LANES

    def iload(h, slot):
        return pltpu.make_async_copy(words_hbm.at[h], ibuf.at[slot], isem.at[slot])

    for f in range(_FPW):
        d = wid * _FPW + f
        pltpu.sync_copy(table_hbm.at[d], trow)
        head = trow[pl.ds(0, _LANES)]
        trow[pl.ds(0, _LANES)] = jnp.where(
            lax.iota(jnp.int32, _LANES) == 0, jnp.float32(0.0), head
        )

        def ostore(h, slot, d=d):
            return pltpu.make_async_copy(
                obuf.at[slot], out_hbm.at[h, d], osem.at[slot]
            )

        iload(0, 0).start()

        def hstep(h, carry, d=d, ostore=ostore):
            slot = lax.rem(h, 2)

            @pl.when(h >= 2)
            def _():
                ostore(h - 2, slot).wait()

            iload(h, slot).wait()

            @pl.when(h + 1 < hist)
            def _():
                iload(h + 1, 1 - slot).start()

            def vstep(g, c):
                base = g * (_UNROLL * _LANES)
                for u in range(_UNROLL):
                    off = base + u * _LANES
                    iv = ibuf[slot, pl.ds(off, _LANES)]
                    obuf[slot, pl.ds(off, _LANES)] = plsc.load_gather(
                        trow, [iv]
                    )
                return c

            lax.fori_loop(0, nvec // _UNROLL, vstep, 0)
            ostore(h, slot).start()
            return carry

        lax.fori_loop(0, hist, hstep, 0)
        ostore(hist - 2, lax.rem(hist - 2, 2)).wait()
        ostore(hist - 1, lax.rem(hist - 1, 2)).wait()


def kernel(words, table):
    B, H = words.shape
    V, D = table.shape
    info = plsc.get_sparse_core_info()
    nc, ns = info.num_cores, info.num_subcores

    mesh = plsc.VectorSubcoreMesh(core_axis_name="c", subcore_axis_name="s")
    run = pl.kernel(
        functools.partial(_body, nc),
        out_type=jax.ShapeDtypeStruct((H, D, B), jnp.float32),
        mesh=mesh,
        compiler_params=pltpu.CompilerParams(
            use_tc_tiling_on_sc=False, needs_layout_passes=False
        ),
        scratch_types=[
            pltpu.VMEM((V + (-V) % 128,), jnp.float32),
            pltpu.VMEM((2, B), jnp.int32),
            pltpu.VMEM((2, B), jnp.float32),
            pltpu.SemaphoreType.DMA((2,)),
            pltpu.SemaphoreType.DMA((2,)),
        ],
    )
    vpad = (-V) % 128
    tpad = jnp.concatenate(
        [table.T, jnp.zeros((D, vpad), table.dtype)], axis=1
    )
    out3 = run(tpad, words.T.astype(jnp.int32))
    return out3.transpose(2, 0, 1)

# --- scband reference (transcript-rebuilt; emitter-appended) ---
"""Pipeline reference for scband-word-embedding-2267742733005 (READ-ONLY COPY).

The authoritative reference and input builder live on the scoring server;
editing this copy changes nothing except your own understanding.
"""

import jax, jax.numpy as jnp
import numpy as np

NR_WORDS = 100000
NR_EXTRA = 1000
NR_TOT = NR_WORDS + NR_EXTRA
EMBED_DIM = 64
BATCH = 4096
HIST = 50


def setup_inputs(seed: int = 0) -> dict:
    key = jax.random.key(seed)
    k1, k2, k3 = jax.random.split(key, 3)
    # pretrained word embeddings (frozen in torch, but concatenated into impl.weight)
    word_emb = jax.random.normal(k1, (NR_WORDS, EMBED_DIM), dtype=jnp.float32)
    # extra word embeddings initialized ~ N(mean(word_emb), std(word_emb))
    mu = jnp.mean(word_emb)
    sd = jnp.std(word_emb)
    extra_emb = jax.random.normal(k2, (NR_EXTRA, EMBED_DIM), dtype=jnp.float32) * sd + mu
    table = jnp.concatenate([word_emb, extra_emb], axis=0)
    words = jax.random.randint(k3, (BATCH, HIST), 0, NR_TOT, dtype=jnp.int64 if jax.config.jax_enable_x64 else jnp.int32)
    return {"words": words, "table": table}


def reference(words, table):
    # nn.Embedding with padding_idx=0: row 0 acts as an all-zero padding vector
    pad_mask = jnp.ones((table.shape[0], 1), dtype=table.dtype).at[0].set(0.0)
    eff_table = table * pad_mask
    return jnp.take(eff_table, words, axis=0)

if __name__ == "__main__":
    import jax
    _d = setup_inputs()
    print(jax.jit(kernel)(*tuple(_d.values())))

</pallas_src>

<mosaic_0001>
#map = affine_map<(d0, d1) -> (0, 0)>
#map1 = affine_map<(d0, d1) -> (0, 0, 0)>
module attributes {stable_mosaic.version = 14 : i64} {
  func.func @_body(%arg0: i32, %arg1: i32, %arg2: memref<64x101120xf32, #tpu.memory_space<hbm>>, %arg3: memref<50x4096xi32, #tpu.memory_space<hbm>>, %arg4: memref<50x64x4096xf32, #tpu.memory_space<hbm>>, %arg5: memref<101120xf32, #tpu.memory_space<vmem>>, %arg6: memref<2x4096xi32, #tpu.memory_space<vmem>>, %arg7: memref<2x4096xf32, #tpu.memory_space<vmem>>, %arg8: memref<2x!tpu.dma_semaphore, #tpu.memory_space<semaphore_mem>>, %arg9: memref<2x!tpu.dma_semaphore, #tpu.memory_space<semaphore_mem>>) attributes {dimension_semantics = [#tpu.dimension_semantics<core_parallel>, #tpu.dimension_semantics<subcore_parallel>], iteration_bounds = array<i64: 2, 16>, scalar_prefetch = 0 : i64, scratch_operands = 5 : i64, tpu.core_type = #tpu.core_type<sc_vector_subcore>, window_params = [{transform_indices = #map}, {transform_indices = #map}, {transform_indices = #map1}]} {
    %mul3A = arith.constant 2 : i32
    %mul3A_0 = arith.muli %arg1, %mul3A : i32
    %add3A = arith.addi %mul3A_0, %arg0 : i32
    %mul3A_1 = arith.constant 2 : i32
    %mul3A_2 = arith.muli %add3A, %mul3A_1 : i32
    %add3A_3 = arith.constant 0 : i32
    %add3A_4 = arith.addi %mul3A_2, %add3A_3 : i32
    "tpu.region"() ({
      %run_scoped3A = tpu.sem_alloc : memref<!tpu.dma_semaphore, #tpu.memory_space<semaphore_mem>>
      %dma_start3A_138 = arith.constant 0 : i32
      %dma_start3A_139 = tpu.memref_slice %arg2[%add3A_4, %dma_start3A_138] : memref<64x101120xf32, #tpu.memory_space<hbm>> -> memref<1x101120xf32, #tpu.memory_space<hbm>>
      %dma_start3A_140 = tpu.memref_squeeze %dma_start3A_139 : memref<1x101120xf32, #tpu.memory_space<hbm>> -> memref<101120xf32, #tpu.memory_space<hbm>>
      %dma_start3A_141 = arith.constant 0 : i32
      %dma_start3A_142 = tpu.memref_slice %arg2[%add3A_4, %dma_start3A_141] : memref<64x101120xf32, #tpu.memory_space<hbm>> -> memref<1x101120xf32, #tpu.memory_space<hbm>>
      %dma_start3A_143 = tpu.memref_squeeze %dma_start3A_142 : memref<1x101120xf32, #tpu.memory_space<hbm>> -> memref<101120xf32, #tpu.memory_space<hbm>>
      tpu.enqueue_dma source(%dma_start3A_143 : memref<101120xf32, #tpu.memory_space<hbm>>) target(%arg5 : memref<101120xf32, #tpu.memory_space<vmem>>) target_semaphore(%run_scoped3A : memref<!tpu.dma_semaphore, #tpu.memory_space<semaphore_mem>>)
      %dma_wait3A_144 = arith.constant 0 : i32
      %dma_wait3A_145 = tpu.memref_slice %arg2[%add3A_4, %dma_wait3A_144] : memref<64x101120xf32, #tpu.memory_space<hbm>> -> memref<1x101120xf32, #tpu.memory_space<hbm>>
      %dma_wait3A_146 = tpu.memref_squeeze %dma_wait3A_145 : memref<1x101120xf32, #tpu.memory_space<hbm>> -> memref<101120xf32, #tpu.memory_space<hbm>>
      %dma_wait3A_147 = arith.constant 0 : i32
      %dma_wait3A_148 = tpu.memref_slice %arg2[%add3A_4, %dma_wait3A_147] : memref<64x101120xf32, #tpu.memory_space<hbm>> -> memref<1x101120xf32, #tpu.memory_space<hbm>>
      %dma_wait3A_149 = tpu.memref_squeeze %dma_wait3A_148 : memref<1x101120xf32, #tpu.memory_space<hbm>> -> memref<101120xf32, #tpu.memory_space<hbm>>
      tpu.wait_dma2 semaphore(%run_scoped3A : memref<!tpu.dma_semaphore, #tpu.memory_space<semaphore_mem>>) src(%dma_wait3A_149 : memref<101120xf32, #tpu.memory_space<hbm>>) dst(%arg5 : memref<101120xf32, #tpu.memory_space<vmem>>)
      tpu.yield
    }) : () -> ()
    %get3A = arith.constant 0 : index
    %get3A_5 = tpu.vector_load %arg5[%get3A] {strides = array<i32>} : memref<101120xf32, #tpu.memory_space<vmem>>, vector<16xf32>,
    %iota3A = tpu.iota {dimensions = array<i32: 0>} : vector<16xi32>
    %eq3A = arith.constant 0 : i32
    %eq3A_6 = vector.broadcast %eq3A : i32 to vector<16xi32>
    %eq3A_7 = arith.cmpi eq, %iota3A, %eq3A_6 : vector<16xi32>
    %jit3A = arith.constant 0.000000e+00 : f32
    %broadcast_in_dim3A = vector.broadcast %jit3A : f32 to vector<16xf32>
    %select_n3A = arith.select %eq3A_7, %broadcast_in_dim3A, %get3A_5 : vector<16xi1>, vector<16xf32>
    %swap3A = arith.constant 0 : index
    %swap3A_8 = tpu.vector_load %arg5[%swap3A] {strides = array<i32>} : memref<101120xf32, #tpu.memory_space<vmem>>, vector<16xf32>,
    tpu.vector_store %arg5[%swap3A], %select_n3A {strides = array<i32>} : memref<101120xf32, #tpu.memory_space<vmem>>, vector<16xf32>,
    %dma_start3A = arith.constant 0 : i32
    %dma_start3A_9 = arith.constant 0 : i32
    %dma_start3A_10 = arith.constant 0 : i32
    %dma_start3A_11 = arith.constant 0 : i32
    %dma_start3A_12 = tpu.memref_slice %arg6[%dma_start3A_9, %dma_start3A_11] : memref<2x4096xi32, #tpu.memory_space<vmem>> -> memref<1x4096xi32, #tpu.memory_space<vmem>>
    %dma_start3A_13 = tpu.memref_squeeze %dma_start3A_12 : memref<1x4096xi32, #tpu.memory_space<vmem>> -> memref<4096xi32, #tpu.memory_space<vmem>>
    %dma_start3A_14 = arith.constant 0 : i32
    %dma_start3A_15 = tpu.memref_slice %arg3[%dma_start3A, %dma_start3A_14] : memref<50x4096xi32, #tpu.memory_space<hbm>> -> memref<1x4096xi32, #tpu.memory_space<hbm>>
    %dma_start3A_16 = tpu.memref_squeeze %dma_start3A_15 : memref<1x4096xi32, #tpu.memory_space<hbm>> -> memref<4096xi32, #tpu.memory_space<hbm>>
    %dma_start3A_17 = tpu.memref_slice %arg8[%dma_start3A_10] : memref<2x!tpu.dma_semaphore, #tpu.memory_space<semaphore_mem>> -> memref<1x!tpu.dma_semaphore, #tpu.memory_space<semaphore_mem>>
    %dma_start3A_18 = tpu.memref_squeeze %dma_start3A_17 : memref<1x!tpu.dma_semaphore, #tpu.memory_space<semaphore_mem>> -> memref<!tpu.dma_semaphore, #tpu.memory_space<semaphore_mem>>
    %dma_start3A_19 = arith.constant 0 : i32
    %dma_start3A_20 = tpu.memref_slice %arg6[%dma_start3A_9, %dma_start3A_19] : memref<2x4096xi32, #tpu.memory_space<vmem>> -> memref<1x4096xi32, #tpu.memory_space<vmem>>
    %dma_start3A_21 = tpu.memref_squeeze %dma_start3A_20 : memref<1x4096xi32, #tpu.memory_space<vmem>> -> memref<4096xi32, #tpu.memory_space<vmem>>
    %dma_start3A_22 = arith.constant 0 : i32
    %dma_start3A_23 = tpu.memref_slice %arg3[%dma_start3A, %dma_start3A_22] : memref<50x4096xi32, #tpu.memory_space<hbm>> -> memref<1x4096xi32, #tpu.memory_space<hbm>>
    %dma_start3A_24 = tpu.memref_squeeze %dma_start3A_23 : memref<1x4096xi32, #tpu.memory_space<hbm>> -> memref<4096xi32, #tpu.memory_space<hbm>>
    tpu.enqueue_dma source(%dma_start3A_24 : memref<4096xi32, #tpu.memory_space<hbm>>) target(%dma_start3A_21 : memref<4096xi32, #tpu.memory_space<vmem>>) target_semaphore(%dma_start3A_18 : memref<!tpu.dma_semaphore, #tpu.memory_space<semaphore_mem>>)
    %scan3A = arith.constant 0 : i32
    %scan3A_25 = arith.constant 0 : i32
    %scan3A_26 = arith.constant 50 : i32
    %scan3A_27 = arith.addi %scan3A_25, %scan3A_26 : i32
    %scan3A_28 = arith.constant 1 : i32
    scf.for %scan3A_138 = %scan3A_25 to %scan3A_27 step %scan3A_28  : i32 {
      %rem3A_139 = arith.constant 2 : i32
      %rem3A_140 = arith.remsi %scan3A_138, %rem3A_139 : i32
      %ge3A = arith.constant 2 : i32
      %ge3A_141 = arith.cmpi sge, %scan3A_138, %ge3A : i32
      %convert_element_type3A = arith.extui %ge3A_141 : i1 to i32
      %cond3A = arith.constant 0 : i32
      %cond3A_142 = arith.cmpi ne, %convert_element_type3A, %cond3A : i32
      scf.if %cond3A_142 {
        %sub3A = arith.constant 2 : i32
        %sub3A_183 = arith.subi %scan3A_138, %sub3A : i32
        %dma_wait3A_184 = arith.constant 0 : i32
        %dma_wait3A_185 = tpu.memref_slice %arg7[%rem3A_140, %dma_wait3A_184] : memref<2x4096xf32, #tpu.memory_space<vmem>> -> memref<1x4096xf32, #tpu.memory_space<vmem>>
        %dma_wait3A_186 = tpu.memref_squeeze %dma_wait3A_185 : memref<1x4096xf32, #tpu.memory_space<vmem>> -> memref<4096xf32, #tpu.memory_space<vmem>>
        %dma_wait3A_187 = arith.constant 0 : i32
        %dma_wait3A_188 = tpu.memref_slice %arg4[%sub3A_183, %add3A_4, %dma_wait3A_187] : memref<50x64x4096xf32, #tpu.memory_space<hbm>> -> memref<1x1x4096xf32, #tpu.memory_space<hbm>>
        %dma_wait3A_189 = tpu.memref_squeeze %dma_wait3A_188 : memref<1x1x4096xf32, #tpu.memory_space<hbm>> -> memref<4096xf32, #tpu.memory_space<hbm>>
        %dma_wait3A_190 = tpu.memref_slice %arg9[%rem3A_140] : memref<2x!tpu.dma_semaphore, #tpu.memory_space<semaphore_mem>> -> memref<1x!tpu.dma_semaphore, #tpu.memory_space<semaphore_mem>>
        %dma_wait3A_191 = tpu.memref_squeeze %dma_wait3A_190 : memref<1x!tpu.dma_semaphore, #tpu.memory_space<semaphore_mem>> -> memref<!tpu.dma_semaphore, #tpu.memory_space<semaphore_mem>>
        %dma_wait3A_192 = arith.constant 0 : i32
        %dma_wait3A_193 = tpu.memref_slice %arg4[%sub3A_183, %add3A_4, %dma_wait3A_192] : memref<50x64x4096xf32, #tpu.memory_space<hbm>> -> memref<1x1x4096xf32, #tpu.memory_space<hbm>>
        %dma_wait3A_194 = tpu.memref_squeeze %dma_wait3A_193 : memref<1x1x4096xf32, #tpu.memory_space<hbm>> -> memref<4096xf32, #tpu.memory_space<hbm>>
        %dma_wait3A_195 = arith.constant 0 : i32
        %dma_wait3A_196 = tpu.memref_slice %arg7[%rem3A_140, %dma_wait3A_195] : memref<2x4096xf32, #tpu.memory_space<vmem>> -> memref<1x4096xf32, #tpu.memory_space<vmem>>
        %dma_wait3A_197 = tpu.memref_squeeze %dma_wait3A_196 : memref<1x4096xf32, #tpu.memory_space<vmem>> -> memref<4096xf32, #tpu.memory_space<vmem>>
        tpu.wait_dma2 semaphore(%dma_wait3A_191 : memref<!tpu.dma_semaphore, #tpu.memory_space<semaphore_mem>>) src(%dma_wait3A_197 : memref<4096xf32, #tpu.memory_space<vmem>>) dst(%dma_wait3A_194 : memref<4096xf32, #tpu.memory_space<hbm>>)
      } else {
      }
      %dma_wait3A_143 = arith.constant 0 : i32
      %dma_wait3A_144 = tpu.memref_slice %arg6[%rem3A_140, %dma_wait3A_143] : memref<2x4096xi32, #tpu.memory_space<vmem>> -> memref<1x4096xi32, #tpu.memory_space<vmem>>
      %dma_wait3A_145 = tpu.memref_squeeze %dma_wait3A_144 : memref<1x4096xi32, #tpu.memory_space<vmem>> -> memref<4096xi32, #tpu.memory_space<vmem>>
      %dma_wait3A_146 = arith.constant 0 : i32
      %dma_wait3A_147 = tpu.memref_slice %arg3[%scan3A_138, %dma_wait3A_146] : memref<50x4096xi32, #tpu.memory_space<hbm>> -> memref<1x4096xi32, #tpu.memory_space<hbm>>
      %dma_wait3A_148 = tpu.memref_squeeze %dma_wait3A_147 : memref<1x4096xi32, #tpu.memory_space<hbm>> -> memref<4096xi32, #tpu.memory_space<hbm>>
      %dma_wait3A_149 = tpu.memref_slice %arg8[%rem3A_140] : memref<2x!tpu.dma_semaphore, #tpu.memory_space<semaphore_mem>> -> memref<1x!tpu.dma_semaphore, #tpu.memory_space<semaphore_mem>>
      %dma_wait3A_150 = tpu.memref_squeeze %dma_wait3A_149 : memref<1x!tpu.dma_semaphore, #tpu.memory_space<semaphore_mem>> -> memref<!tpu.dma_semaphore, #tpu.memory_space<semaphore_mem>>
      %dma_wait3A_151 = arith.constant 0 : i32
      %dma_wait3A_152 = tpu.memref_slice %arg6[%rem3A_140, %dma_wait3A_151] : memref<2x4096xi32, #tpu.memory_space<vmem>> -> memref<1x4096xi32, #tpu.memory_space<vmem>>
      %dma_wait3A_153 = tpu.memref_squeeze %dma_wait3A_152 : memref<1x4096xi32, #tpu.memory_space<vmem>> -> memref<4096xi32, #tpu.memory_space<vmem>>
      %dma_wait3A_154 = arith.constant 0 : i32
      %dma_wait3A_155 = tpu.memref_slice %arg3[%scan3A_138, %dma_wait3A_154] : memref<50x4096xi32, #tpu.memory_space<hbm>> -> memref<1x4096xi32, #tpu.memory_space<hbm>>
      %dma_wait3A_156 = tpu.memref_squeeze %dma_wait3A_155 : memref<1x4096xi32, #tpu.memory_space<hbm>> -> memref<4096xi32, #tpu.memory_space<hbm>>
      tpu.wait_dma2 semaphore(%dma_wait3A_150 : memref<!tpu.dma_semaphore, #tpu.memory_space<semaphore_mem>>) src(%dma_wait3A_156 : memref<4096xi32, #tpu.memory_space<hbm>>) dst(%dma_wait3A_153 : memref<4096xi32, #tpu.memory_space<vmem>>)
      %add3A_157 = arith.constant 1 : i32
      %add3A_158 = arith.addi %scan3A_138, %add3A_157 : i32
      %lt3A = arith.constant 50 : i32
      %lt3A_159 = arith.cmpi slt, %add3A_158, %lt3A : i32
      %convert_element_type3A_160 = arith.extui %lt3A_159 : i1 to i32
      %cond3A_161 = arith.constant 0 : i32
      %cond3A_162 = arith.cmpi ne, %convert_element_type3A_160, %cond3A_161 : i32
      scf.if %cond3A_162 {
        %add3A_183 = arith.constant 1 : i32
        %add3A_184 = arith.addi %scan3A_138, %add3A_183 : i32
        %sub3A = arith.constant 1 : i32
        %sub3A_185 = arith.subi %sub3A, %rem3A_140 : i32
        %dma_start3A_186 = arith.constant 0 : i32
        %dma_start3A_187 = tpu.memref_slice %arg6[%sub3A_185, %dma_start3A_186] : memref<2x4096xi32, #tpu.memory_space<vmem>> -> memref<1x4096xi32, #tpu.memory_space<vmem>>
        %dma_start3A_188 = tpu.memref_squeeze %dma_start3A_187 : memref<1x4096xi32, #tpu.memory_space<vmem>> -> memref<4096xi32, #tpu.memory_space<vmem>>
        %dma_start3A_189 = arith.constant 0 : i32
        %dma_start3A_190 = tpu.memref_slice %arg3[%add3A_184, %dma_start3A_189] : memref<50x4096xi32, #tpu.memory_space<hbm>> -> memref<1x4096xi32, #tpu.memory_space<hbm>>
        %dma_start3A_191 = tpu.memref_squeeze %dma_start3A_190 : memref<1x4096xi32, #tpu.memory_space<hbm>> -> memref<4096xi32, #tpu.memory_space<hbm>>
        %dma_start3A_192 = tpu.memref_slice %arg8[%sub3A_185] : memref<2x!tpu.dma_semaphore, #tpu.memory_space<semaphore_mem>> -> memref<1x!tpu.dma_semaphore, #tpu.memory_space<semaphore_mem>>
        %dma_start3A_193 = tpu.memref_squeeze %dma_start3A_192 : memref<1x!tpu.dma_semaphore, #tpu.memory_space<semaphore_mem>> -> memref<!tpu.dma_semaphore, #tpu.memory_space<semaphore_mem>>
        %dma_start3A_194 = arith.constant 0 : i32
        %dma_start3A_195 = tpu.memref_slice %arg6[%sub3A_185, %dma_start3A_194] : memref<2x4096xi32, #tpu.memory_space<vmem>> -> memref<1x4096xi32, #tpu.memory_space<vmem>>
        %dma_start3A_196 = tpu.memref_squeeze %dma_start3A_195 : memref<1x4096xi32, #tpu.memory_space<vmem>> -> memref<4096xi32, #tpu.memory_space<vmem>>
        %dma_start3A_197 = arith.constant 0 : i32
        %dma_start3A_198 = tpu.memref_slice %arg3[%add3A_184, %dma_start3A_197] : memref<50x4096xi32, #tpu.memory_space<hbm>> -> memref<1x4096xi32, #tpu.memory_space<hbm>>
        %dma_start3A_199 = tpu.memref_squeeze %dma_start3A_198 : memref<1x4096xi32, #tpu.memory_space<hbm>> -> memref<4096xi32, #tpu.memory_space<hbm>>
        tpu.enqueue_dma source(%dma_start3A_199 : memref<4096xi32, #tpu.memory_space<hbm>>) target(%dma_start3A_196 : memref<4096xi32, #tpu.memory_space<vmem>>) target_semaphore(%dma_start3A_193 : memref<!tpu.dma_semaphore, #tpu.memory_space<semaphore_mem>>)
      } else {
      }
      %scan3A_163 = arith.constant 0 : i32
      %scan3A_164 = arith.constant 0 : i32
      %scan3A_165 = arith.constant 32 : i32
      %scan3A_166 = arith.addi %scan3A_164, %scan3A_165 : i32
      %scan3A_167 = arith.constant 1 : i32
      scf.for %scan3A_183 = %scan3A_164 to %scan3A_166 step %scan3A_167  : i32 {
        %mul3A_184 = arith.constant 128 : i32
        %mul3A_185 = arith.muli %scan3A_183, %mul3A_184 : i32
        %add3A_186 = arith.constant 0 : i32
        %add3A_187 = arith.addi %mul3A_185, %add3A_186 : i32
        %get3A_188 = arith.index_cast %rem3A_140 : i32 to index
        %get3A_189 = arith.index_cast %add3A_187 : i32 to index
        %get3A_190 = tpu.vector_load %arg6[%get3A_188, %get3A_189] {strides = array<i32>} : memref<2x4096xi32, #tpu.memory_space<vmem>>, vector<16xi32>,
        %gather3A = tpu.vector_load_idx %arg5[%get3A_190] : memref<101120xf32, #tpu.memory_space<vmem>>[vector<16xi32>], vector<16xf32>,
        %swap3A_191 = arith.index_cast %rem3A_140 : i32 to index
        %swap3A_192 = arith.index_cast %add3A_187 : i32 to index
        %swap3A_193 = tpu.vector_load %arg7[%swap3A_191, %swap3A_192] {strides = array<i32>} : memref<2x4096xf32, #tpu.memory_space<vmem>>, vector<16xf32>,
        tpu.vector_store %arg7[%swap3A_191, %swap3A_192], %gather3A {strides = array<i32>} : memref<2x4096xf32, #tpu.memory_space<vmem>>, vector<16xf32>,
        %add3A_194 = arith.constant 16 : i32
        %add3A_195 = arith.addi %mul3A_185, %add3A_194 : i32
        %get3A_196 = arith.index_cast %rem3A_140 : i32 to index
        %get3A_197 = arith.index_cast %add3A_195 : i32 to index
        %get3A_198 = tpu.vector_load %arg6[%get3A_196, %get3A_197] {strides = array<i32>} : memref<2x4096xi32, #tpu.memory_space<vmem>>, vector<16xi32>,
        %gather3A_199 = tpu.vector_load_idx %arg5[%get3A_198] : memref<101120xf32, #tpu.memory_space<vmem>>[vector<16xi32>], vector<16xf32>,
        %swap3A_200 = arith.index_cast %rem3A_140 : i32 to index
        %swap3A_201 = arith.index_cast %add3A_195 : i32 to index
        %swap3A_202 = tpu.vector_load %arg7[%swap3A_200, %swap3A_201] {strides = array<i32>} : memref<2x4096xf32, #tpu.memory_space<vmem>>, vector<16xf32>,
        tpu.vector_store %arg7[%swap3A_200, %swap3A_201], %gather3A_199 {strides = array<i32>} : memref<2x4096xf32, #tpu.memory_space<vmem>>, vector<16xf32>,
        %add3A_203 = arith.constant 32 : i32
        %add3A_204 = arith.addi %mul3A_185, %add3A_203 : i32
        %get3A_205 = arith.index_cast %rem3A_140 : i32 to index
        %get3A_206 = arith.index_cast %add3A_204 : i32 to index
        %get3A_207 = tpu.vector_load %arg6[%get3A_205, %get3A_206] {strides = array<i32>} : memref<2x4096xi32, #tpu.memory_space<vmem>>, vector<16xi32>,
        %gather3A_208 = tpu.vector_load_idx %arg5[%get3A_207] : memref<101120xf32, #tpu.memory_space<vmem>>[vector<16xi32>], vector<16xf32>,
        %swap3A_209 = arith.index_cast %rem3A_140 : i32 to index
        %swap3A_210 = arith.index_cast %add3A_204 : i32 to index
        %swap3A_211 = tpu.vector_load %arg7[%swap3A_209, %swap3A_210] {strides = array<i32>} : memref<2x4096xf32, #tpu.memory_space<vmem>>, vector<16xf32>,
        tpu.vector_store %arg7[%swap3A_209, %swap3A_210], %gather3A_208 {strides = array<i32>} : memref<2x4096xf32, #tpu.memory_space<vmem>>, vector<16xf32>,
        %add3A_212 = arith.constant 48 : i32
        %add3A_213 = arith.addi %mul3A_185, %add3A_212 : i32
        %get3A_214 = arith.index_cast %rem3A_140 : i32 to index
        %get3A_215 = arith.index_cast %add3A_213 : i32 to index
        %get3A_216 = tpu.vector_load %arg6[%get3A_214, %get3A_215] {strides = array<i32>} : memref<2x4096xi32, #tpu.memory_space<vmem>>, vector<16xi32>,
        %gather3A_217 = tpu.vector_load_idx %arg5[%get3A_216] : memref<101120xf32, #tpu.memory_space<vmem>>[vector<16xi32>], vector<16xf32>,
        %swap3A_218 = arith.index_cast %rem3A_140 : i32 to index
        %swap3A_219 = arith.index_cast %add3A_213 : i32 to index
        %swap3A_220 = tpu.vector_load %arg7[%swap3A_218, %swap3A_219] {strides = array<i32>} : memref<2x4096xf32, #tpu.memory_space<vmem>>, vector<16xf32>,
        tpu.vector_store %arg7[%swap3A_218, %swap3A_219], %gather3A_217 {strides = array<i32>} : memref<2x4096xf32, #tpu.memory_space<vmem>>, vector<16xf32>,
        %add3A_221 = arith.constant 64 : i32
        %add3A_222 = arith.addi %mul3A_185, %add3A_221 : i32
        %get3A_223 = arith.index_cast %rem3A_140 : i32 to index
        %get3A_224 = arith.index_cast %add3A_222 : i32 to index
        %get3A_225 = tpu.vector_load %arg6[%get3A_223, %get3A_224] {strides = array<i32>} : memref<2x4096xi32, #tpu.memory_space<vmem>>, vector<16xi32>,
        %gather3A_226 = tpu.vector_load_idx %arg5[%get3A_225] : memref<101120xf32, #tpu.memory_space<vmem>>[vector<16xi32>], vector<16xf32>,
        %swap3A_227 = arith.index_cast %rem3A_140 : i32 to index
        %swap3A_228 = arith.index_cast %add3A_222 : i32 to index
        %swap3A_229 = tpu.vector_load %arg7[%swap3A_227, %swap3A_228] {strides = array<i32>} : memref<2x4096xf32, #tpu.memory_space<vmem>>, vector<16xf32>,
        tpu.vector_store %arg7[%swap3A_227, %swap3A_228], %gather3A_226 {strides = array<i32>} : memref<2x4096xf32, #tpu.memory_space<vmem>>, vector<16xf32>,
        %add3A_230 = arith.constant 80 : i32
        %add3A_231 = arith.addi %mul3A_185, %add3A_230 : i32
        %get3A_232 = arith.index_cast %rem3A_140 : i32 to index
        %get3A_233 = arith.index_cast %add3A_231 : i32 to index
        %get3A_234 = tpu.vector_load %arg6[%get3A_232, %get3A_233] {strides = array<i32>} : memref<2x4096xi32, #tpu.memory_space<vmem>>, vector<16xi32>,
        %gather3A_235 = tpu.vector_load_idx %arg5[%get3A_234] : memref<101120xf32, #tpu.memory_space<vmem>>[vector<16xi32>], vector<16xf32>,
        %swap3A_236 = arith.index_cast %rem3A_140 : i32 to index
        %swap3A_237 = arith.index_cast %add3A_231 : i32 to index
        %swap3A_238 = tpu.vector_load %arg7[%swap3A_236, %swap3A_237] {strides = array<i32>} : memref<2x4096xf32, #tpu.memory_space<vmem>>, vector<16xf32>,
        tpu.vector_store %arg7[%swap3A_236, %swap3A_237], %gather3A_235 {strides = array<i32>} : memref<2x4096xf32, #tpu.memory_space<vmem>>, vector<16xf32>,
        %add3A_239 = arith.constant 96 : i32
        %add3A_240 = arith.addi %mul3A_185, %add3A_239 : i32
        %get3A_241 = arith.index_cast %rem3A_140 : i32 to index
        %get3A_242 = arith.index_cast %add3A_240 : i32 to index
        %get3A_243 = tpu.vector_load %arg6[%get3A_241, %get3A_242] {strides = array<i32>} : memref<2x4096xi32, #tpu.memory_space<vmem>>, vector<16xi32>,
        %gather3A_244 = tpu.vector_load_idx %arg5[%get3A_243] : memref<101120xf32, #tpu.memory_space<vmem>>[vector<16xi32>], vector<16xf32>,
        %swap3A_245 = arith.index_cast %rem3A_140 : i32 to index
        %swap3A_246 = arith.index_cast %add3A_240 : i32 to index
        %swap3A_247 = tpu.vector_load %arg7[%swap3A_245, %swap3A_246] {strides = array<i32>} : memref<2x4096xf32, #tpu.memory_space<vmem>>, vector<16xf32>,
        tpu.vector_store %arg7[%swap3A_245, %swap3A_246], %gather3A_244 {strides = array<i32>} : memref<2x4096xf32, #tpu.memory_space<vmem>>, vector<16xf32>,
        %add3A_248 = arith.constant 112 : i32
        %add3A_249 = arith.addi %mul3A_185, %add3A_248 : i32
        %get3A_250 = arith.index_cast %rem3A_140 : i32 to index
        %get3A_251 = arith.index_cast %add3A_249 : i32 to index
        %get3A_252 = tpu.vector_load %arg6[%get3A_250, %get3A_251] {strides = array<i32>} : memref<2x4096xi32, #tpu.memory_space<vmem>>, vector<16xi32>,
        %gather3A_253 = tpu.vector_load_idx %arg5[%get3A_252] : memref<101120xf32, #tpu.memory_space<vmem>>[vector<16xi32>], vector<16xf32>,
        %swap3A_254 = arith.index_cast %rem3A_140 : i32 to index
        %swap3A_255 = arith.index_cast %add3A_249 : i32 to index
        %swap3A_256 = tpu.vector_load %arg7[%swap3A_254, %swap3A_255] {strides = array<i32>} : memref<2x4096xf32, #tpu.memory_space<vmem>>, vector<16xf32>,
        tpu.vector_store %arg7[%swap3A_254, %swap3A_255], %gather3A_253 {strides = array<i32>} : memref<2x4096xf32, #tpu.memory_space<vmem>>, vector<16xf32>,
      }
      %scan3A_168 = arith.constant 32 : i32
      %dma_start3A_169 = arith.constant 0 : i32
      %dma_start3A_170 = tpu.memref_slice %arg7[%rem3A_140, %dma_start3A_169] : memref<2x4096xf32, #tpu.memory_space<vmem>> -> memref<1x4096xf32, #tpu.memory_space<vmem>>
      %dma_start3A_171 = tpu.memref_squeeze %dma_start3A_170 : memref<1x4096xf32, #tpu.memory_space<vmem>> -> memref<4096xf32, #tpu.memory_space<vmem>>
      %dma_start3A_172 = arith.constant 0 : i32
      %dma_start3A_173 = tpu.memref_slice %arg4[%scan3A_138, %add3A_4, %dma_start3A_172] : memref<50x64x4096xf32, #tpu.memory_space<hbm>> -> memref<1x1x4096xf32, #tpu.memory_space<hbm>>
      %dma_start3A_174 = tpu.memref_squeeze %dma_start3A_173 : memref<1x1x4096xf32, #tpu.memory_space<hbm>> -> memref<4096xf32, #tpu.memory_space<hbm>>
      %dma_start3A_175 = tpu.memref_slice %arg9[%rem3A_140] : memref<2x!tpu.dma_semaphore, #tpu.memory_space<semaphore_mem>> -> memref<1x!tpu.dma_semaphore, #tpu.memory_space<semaphore_mem>>
      %dma_start3A_176 = tpu.memref_squeeze %dma_start3A_175 : memref<1x!tpu.dma_semaphore, #tpu.memory_space<semaphore_mem>> -> memref<!tpu.dma_semaphore, #tpu.memory_space<semaphore_mem>>
      %dma_start3A_177 = arith.constant 0 : i32
      %dma_start3A_178 = tpu.memref_slice %arg4[%scan3A_138, %add3A_4, %dma_start3A_177] : memref<50x64x4096xf32, #tpu.memory_space<hbm>> -> memref<1x1x4096xf32, #tpu.memory_space<hbm>>
      %dma_start3A_179 = tpu.memref_squeeze %dma_start3A_178 : memref<1x1x4096xf32, #tpu.memory_space<hbm>> -> memref<4096xf32, #tpu.memory_space<hbm>>
      %dma_start3A_180 = arith.constant 0 : i32
      %dma_start3A_181 = tpu.memref_slice %arg7[%rem3A_140, %dma_start3A_180] : memref<2x4096xf32, #tpu.memory_space<vmem>> -> memref<1x4096xf32, #tpu.memory_space<vmem>>
      %dma_start3A_182 = tpu.memref_squeeze %dma_start3A_181 : memref<1x4096xf32, #tpu.memory_space<vmem>> -> memref<4096xf32, #tpu.memory_space<vmem>>
      tpu.enqueue_dma source(%dma_start3A_182 : memref<4096xf32, #tpu.memory_space<vmem>>) target(%dma_start3A_179 : memref<4096xf32, #tpu.memory_space<hbm>>) target_semaphore(%dma_start3A_176 : memref<!tpu.dma_semaphore, #tpu.memory_space<semaphore_mem>>)
    }
    %scan3A_29 = arith.constant 50 : i32
    %rem3A = arith.constant 48 : i32
    %rem3A_30 = arith.constant 2 : i32
    %rem3A_31 = arith.remsi %rem3A, %rem3A_30 : i32
    %dma_wait3A = arith.constant 48 : i32
    %dma_wait3A_32 = arith.constant 0 : i32
    %dma_wait3A_33 = tpu.memref_slice %arg7[%rem3A_31, %dma_wait3A_32] : memref<2x4096xf32, #tpu.memory_space<vmem>> -> memref<1x4096xf32, #tpu.memory_space<vmem>>
    %dma_wait3A_34 = tpu.memref_squeeze %dma_wait3A_33 : memref<1x4096xf32, #tpu.memory_space<vmem>> -> memref<4096xf32, #tpu.memory_space<vmem>>
    %dma_wait3A_35 = arith.constant 0 : i32
    %dma_wait3A_36 = tpu.memref_slice %arg4[%dma_wait3A, %add3A_4, %dma_wait3A_35] : memref<50x64x4096xf32, #tpu.memory_space<hbm>> -> memref<1x1x4096xf32, #tpu.memory_space<hbm>>
    %dma_wait3A_37 = tpu.memref_squeeze %dma_wait3A_36 : memref<1x1x4096xf32, #tpu.memory_space<hbm>> -> memref<4096xf32, #tpu.memory_space<hbm>>
    %dma_wait3A_38 = tpu.memref_slice %arg9[%rem3A_31] : memref<2x!tpu.dma_semaphore, #tpu.memory_space<semaphore_mem>> -> memref<1x!tpu.dma_semaphore, #tpu.memory_space<semaphore_mem>>
    %dma_wait3A_39 = tpu.memref_squeeze %dma_wait3A_38 : memref<1x!tpu.dma_semaphore, #tpu.memory_space<semaphore_mem>> -> memref<!tpu.dma_semaphore, #tpu.memory_space<semaphore_mem>>
    %dma_wait3A_40 = arith.constant 0 : i32
    %dma_wait3A_41 = tpu.memref_slice %arg4[%dma_wait3A, %add3A_4, %dma_wait3A_40] : memref<50x64x4096xf32, #tpu.memory_space<hbm>> -> memref<1x1x4096xf32, #tpu.memory_space<hbm>>
    %dma_wait3A_42 = tpu.memref_squeeze %dma_wait3A_41 : memref<1x1x4096xf32, #tpu.memory_space<hbm>> -> memref<4096xf32, #tpu.memory_space<hbm>>
    %dma_wait3A_43 = arith.constant 0 : i32
    %dma_wait3A_44 = tpu.memref_slice %arg7[%rem3A_31, %dma_wait3A_43] : memref<2x4096xf32, #tpu.memory_space<vmem>> -> memref<1x4096xf32, #tpu.memory_space<vmem>>
    %dma_wait3A_45 = tpu.memref_squeeze %dma_wait3A_44 : memref<1x4096xf32, #tpu.memory_space<vmem>> -> memref<4096xf32, #tpu.memory_space<vmem>>
    tpu.wait_dma2 semaphore(%dma_wait3A_39 : memref<!tpu.dma_semaphore, #tpu.memory_space<semaphore_mem>>) src(%dma_wait3A_45 : memref<4096xf32, #tpu.memory_space<vmem>>) dst(%dma_wait3A_42 : memref<4096xf32, #tpu.memory_space<hbm>>)
    %rem3A_46 = arith.constant 49 : i32
    %rem3A_47 = arith.constant 2 : i32
    %rem3A_48 = arith.remsi %rem3A_46, %rem3A_47 : i32
    %dma_wait3A_49 = arith.constant 49 : i32
    %dma_wait3A_50 = arith.constant 0 : i32
    %dma_wait3A_51 = tpu.memref_slice %arg7[%rem3A_48, %dma_wait3A_50] : memref<2x4096xf32, #tpu.memory_space<vmem>> -> memref<1x4096xf32, #tpu.memory_space<vmem>>
    %dma_wait3A_52 = tpu.memref_squeeze %dma_wait3A_51 : memref<1x4096xf32, #tpu.memory_space<vmem>> -> memref<4096xf32, #tpu.memory_space<vmem>>
    %dma_wait3A_53 = arith.constant 0 : i32
    %dma_wait3A_54 = tpu.memref_slice %arg4[%dma_wait3A_49, %add3A_4, %dma_wait3A_53] : memref<50x64x4096xf32, #tpu.memory_space<hbm>> -> memref<1x1x4096xf32, #tpu.memory_space<hbm>>
    %dma_wait3A_55 = tpu.memref_squeeze %dma_wait3A_54 : memref<1x1x4096xf32, #tpu.memory_space<hbm>> -> memref<4096xf32, #tpu.memory_space<hbm>>
    %dma_wait3A_56 = tpu.memref_slice %arg9[%rem3A_48] : memref<2x!tpu.dma_semaphore, #tpu.memory_space<semaphore_mem>> -> memref<1x!tpu.dma_semaphore, #tpu.memory_space<semaphore_mem>>
    %dma_wait3A_57 = tpu.memref_squeeze %dma_wait3A_56 : memref<1x!tpu.dma_semaphore, #tpu.memory_space<semaphore_mem>> -> memref<!tpu.dma_semaphore, #tpu.memory_space<semaphore_mem>>
    %dma_wait3A_58 = arith.constant 0 : i32
    %dma_wait3A_59 = tpu.memref_slice %arg4[%dma_wait3A_49, %add3A_4, %dma_wait3A_58] : memref<50x64x4096xf32, #tpu.memory_space<hbm>> -> memref<1x1x4096xf32, #tpu.memory_space<hbm>>
    %dma_wait3A_60 = tpu.memref_squeeze %dma_wait3A_59 : memref<1x1x4096xf32, #tpu.memory_space<hbm>> -> memref<4096xf32, #tpu.memory_space<hbm>>
    %dma_wait3A_61 = arith.constant 0 : i32
    %dma_wait3A_62 = tpu.memref_slice %arg7[%rem3A_48, %dma_wait3A_61] : memref<2x4096xf32, #tpu.memory_space<vmem>> -> memref<1x4096xf32, #tpu.memory_space<vmem>>
    %dma_wait3A_63 = tpu.memref_squeeze %dma_wait3A_62 : memref<1x4096xf32, #tpu.memory_space<vmem>> -> memref<4096xf32, #tpu.memory_space<vmem>>
    tpu.wait_dma2 semaphore(%dma_wait3A_57 : memref<!tpu.dma_semaphore, #tpu.memory_space<semaphore_mem>>) src(%dma_wait3A_63 : memref<4096xf32, #tpu.memory_space<vmem>>) dst(%dma_wait3A_60 : memref<4096xf32, #tpu.memory_space<hbm>>)
    %mul3A_64 = arith.constant 2 : i32
    %mul3A_65 = arith.muli %add3A, %mul3A_64 : i32
    %add3A_66 = arith.constant 1 : i32
    %add3A_67 = arith.addi %mul3A_65, %add3A_66 : i32
    "tpu.region"() ({
      %run_scoped3A = tpu.sem_alloc : memref<!tpu.dma_semaphore, #tpu.memory_space<semaphore_mem>>
      %dma_start3A_138 = arith.constant 0 : i32
      %dma_start3A_139 = tpu.memref_slice %arg2[%add3A_67, %dma_start3A_138] : memref<64x101120xf32, #tpu.memory_space<hbm>> -> memref<1x101120xf32, #tpu.memory_space<hbm>>
      %dma_start3A_140 = tpu.memref_squeeze %dma_start3A_139 : memref<1x101120xf32, #tpu.memory_space<hbm>> -> memref<101120xf32, #tpu.memory_space<hbm>>
      %dma_start3A_141 = arith.constant 0 : i32
      %dma_start3A_142 = tpu.memref_slice %arg2[%add3A_67, %dma_start3A_141] : memref<64x101120xf32, #tpu.memory_space<hbm>> -> memref<1x101120xf32, #tpu.memory_space<hbm>>
      %dma_start3A_143 = tpu.memref_squeeze %dma_start3A_142 : memref<1x101120xf32, #tpu.memory_space<hbm>> -> memref<101120xf32, #tpu.memory_space<hbm>>
      tpu.enqueue_dma source(%dma_start3A_143 : memref<101120xf32, #tpu.memory_space<hbm>>) target(%arg5 : memref<101120xf32, #tpu.memory_space<vmem>>) target_semaphore(%run_scoped3A : memref<!tpu.dma_semaphore, #tpu.memory_space<semaphore_mem>>)
      %dma_wait3A_144 = arith.constant 0 : i32
      %dma_wait3A_145 = tpu.memref_slice %arg2[%add3A_67, %dma_wait3A_144] : memref<64x101120xf32, #tpu.memory_space<hbm>> -> memref<1x101120xf32, #tpu.memory_space<hbm>>
      %dma_wait3A_146 = tpu.memref_squeeze %dma_wait3A_145 : memref<1x101120xf32, #tpu.memory_space<hbm>> -> memref<101120xf32, #tpu.memory_space<hbm>>
      %dma_wait3A_147 = arith.constant 0 : i32
      %dma_wait3A_148 = tpu.memref_slice %arg2[%add3A_67, %dma_wait3A_147] : memref<64x101120xf32, #tpu.memory_space<hbm>> -> memref<1x101120xf32, #tpu.memory_space<hbm>>
      %dma_wait3A_149 = tpu.memref_squeeze %dma_wait3A_148 : memref<1x101120xf32, #tpu.memory_space<hbm>> -> memref<101120xf32, #tpu.memory_space<hbm>>
      tpu.wait_dma2 semaphore(%run_scoped3A : memref<!tpu.dma_semaphore, #tpu.memory_space<semaphore_mem>>) src(%dma_wait3A_149 : memref<101120xf32, #tpu.memory_space<hbm>>) dst(%arg5 : memref<101120xf32, #tpu.memory_space<vmem>>)
      tpu.yield
    }) : () -> ()
    %get3A_68 = arith.constant 0 : index
    %get3A_69 = tpu.vector_load %arg5[%get3A_68] {strides = array<i32>} : memref<101120xf32, #tpu.memory_space<vmem>>, vector<16xf32>,
    %iota3A_70 = tpu.iota {dimensions = array<i32: 0>} : vector<16xi32>
    %eq3A_71 = arith.constant 0 : i32
    %eq3A_72 = vector.broadcast %eq3A_71 : i32 to vector<16xi32>
    %eq3A_73 = arith.cmpi eq, %iota3A_70, %eq3A_72 : vector<16xi32>
    %jit3A_74 = arith.constant 0.000000e+00 : f32
    %broadcast_in_dim3A_75 = vector.broadcast %jit3A_74 : f32 to vector<16xf32>
    %select_n3A_76 = arith.select %eq3A_73, %broadcast_in_dim3A_75, %get3A_69 : vector<16xi1>, vector<16xf32>
    %swap3A_77 = arith.constant 0 : index
    %swap3A_78 = tpu.vector_load %arg5[%swap3A_77] {strides = array<i32>} : memref<101120xf32, #tpu.memory_space<vmem>>, vector<16xf32>,
    tpu.vector_store %arg5[%swap3A_77], %select_n3A_76 {strides = array<i32>} : memref<101120xf32, #tpu.memory_space<vmem>>, vector<16xf32>,
    %dma_start3A_79 = arith.constant 0 : i32
    %dma_start3A_80 = arith.constant 0 : i32
    %dma_start3A_81 = arith.constant 0 : i32
    %dma_start3A_82 = arith.constant 0 : i32
    %dma_start3A_83 = tpu.memref_slice %arg6[%dma_start3A_80, %dma_start3A_82] : memref<2x4096xi32, #tpu.memory_space<vmem>> -> memref<1x4096xi32, #tpu.memory_space<vmem>>
    %dma_start3A_84 = tpu.memref_squeeze %dma_start3A_83 : memref<1x4096xi32, #tpu.memory_space<vmem>> -> memref<4096xi32, #tpu.memory_space<vmem>>
    %dma_start3A_85 = arith.constant 0 : i32
    %dma_start3A_86 = tpu.memref_slice %arg3[%dma_start3A_79, %dma_start3A_85] : memref<50x4096xi32, #tpu.memory_space<hbm>> -> memref<1x4096xi32, #tpu.memory_space<hbm>>
    %dma_start3A_87 = tpu.memref_squeeze %dma_start3A_86 : memref<1x4096xi32, #tpu.memory_space<hbm>> -> memref<4096xi32, #tpu.memory_space<hbm>>
    %dma_start3A_88 = tpu.memref_slice %arg8[%dma_start3A_81] : memref<2x!tpu.dma_semaphore, #tpu.memory_space<semaphore_mem>> -> memref<1x!tpu.dma_semaphore, #tpu.memory_space<semaphore_mem>>
    %dma_start3A_89 = tpu.memref_squeeze %dma_start3A_88 : memref<1x!tpu.dma_semaphore, #tpu.memory_space<semaphore_mem>> -> memref<!tpu.dma_semaphore, #tpu.memory_space<semaphore_mem>>
    %dma_start3A_90 = arith.constant 0 : i32
    %dma_start3A_91 = tpu.memref_slice %arg6[%dma_start3A_80, %dma_start3A_90] : memref<2x4096xi32, #tpu.memory_space<vmem>> -> memref<1x4096xi32, #tpu.memory_space<vmem>>
    %dma_start3A_92 = tpu.memref_squeeze %dma_start3A_91 : memref<1x4096xi32, #tpu.memory_space<vmem>> -> memref<4096xi32, #tpu.memory_space<vmem>>
    %dma_start3A_93 = arith.constant 0 : i32
    %dma_start3A_94 = tpu.memref_slice %arg3[%dma_start3A_79, %dma_start3A_93] : memref<50x4096xi32, #tpu.memory_space<hbm>> -> memref<1x4096xi32, #tpu.memory_space<hbm>>
    %dma_start3A_95 = tpu.memref_squeeze %dma_start3A_94 : memref<1x4096xi32, #tpu.memory_space<hbm>> -> memref<4096xi32, #tpu.memory_space<hbm>>
    tpu.enqueue_dma source(%dma_start3A_95 : memref<4096xi32, #tpu.memory_space<hbm>>) target(%dma_start3A_92 : memref<4096xi32, #tpu.memory_space<vmem>>) target_semaphore(%dma_start3A_89 : memref<!tpu.dma_semaphore, #tpu.memory_space<semaphore_mem>>)
    %scan3A_96 = arith.constant 0 : i32
    %scan3A_97 = arith.constant 0 : i32
    %scan3A_98 = arith.constant 50 : i32
    %scan3A_99 = arith.addi %scan3A_97, %scan3A_98 : i32
    %scan3A_100 = arith.constant 1 : i32
    scf.for %scan3A_138 = %scan3A_97 to %scan3A_99 step %scan3A_100  : i32 {
      %rem3A_139 = arith.constant 2 : i32
      %rem3A_140 = arith.remsi %scan3A_138, %rem3A_139 : i32
      %ge3A = arith.constant 2 : i32
      %ge3A_141 = arith.cmpi sge, %scan3A_138, %ge3A : i32
      %convert_element_type3A = arith.extui %ge3A_141 : i1 to i32
      %cond3A = arith.constant 0 : i32
      %cond3A_142 = arith.cmpi ne, %convert_element_type3A, %cond3A : i32
      scf.if %cond3A_142 {
        %sub3A = arith.constant 2 : i32
        %sub3A_183 = arith.subi %scan3A_138, %sub3A : i32
        %dma_wait3A_184 = arith.constant 0 : i32
        %dma_wait3A_185 = tpu.memref_slice %arg7[%rem3A_140, %dma_wait3A_184] : memref<2x4096xf32, #tpu.memory_space<vmem>> -> memref<1x4096xf32, #tpu.memory_space<vmem>>
        %dma_wait3A_186 = tpu.memref_squeeze %dma_wait3A_185 : memref<1x4096xf32, #tpu.memory_space<vmem>> -> memref<4096xf32, #tpu.memory_space<vmem>>
        %dma_wait3A_187 = arith.constant 0 : i32
        %dma_wait3A_188 = tpu.memref_slice %arg4[%sub3A_183, %add3A_67, %dma_wait3A_187] : memref<50x64x4096xf32, #tpu.memory_space<hbm>> -> memref<1x1x4096xf32, #tpu.memory_space<hbm>>
        %dma_wait3A_189 = tpu.memref_squeeze %dma_wait3A_188 : memref<1x1x4096xf32, #tpu.memory_space<hbm>> -> memref<4096xf32, #tpu.memory_space<hbm>>
        %dma_wait3A_190 = tpu.memref_slice %arg9[%rem3A_140] : memref<2x!tpu.dma_semaphore, #tpu.memory_space<semaphore_mem>> -> memref<1x!tpu.dma_semaphore, #tpu.memory_space<semaphore_mem>>
        %dma_wait3A_191 = tpu.memref_squeeze %dma_wait3A_190 : memref<1x!tpu.dma_semaphore, #tpu.memory_space<semaphore_mem>> -> memref<!tpu.dma_semaphore, #tpu.memory_space<semaphore_mem>>
        %dma_wait3A_192 = arith.constant 0 : i32
        %dma_wait3A_193 = tpu.memref_slice %arg4[%sub3A_183, %add3A_67, %dma_wait3A_192] : memref<50x64x4096xf32, #tpu.memory_space<hbm>> -> memref<1x1x4096xf32, #tpu.memory_space<hbm>>
        %dma_wait3A_194 = tpu.memref_squeeze %dma_wait3A_193 : memref<1x1x4096xf32, #tpu.memory_space<hbm>> -> memref<4096xf32, #tpu.memory_space<hbm>>
        %dma_wait3A_195 = arith.constant 0 : i32
        %dma_wait3A_196 = tpu.memref_slice %arg7[%rem3A_140, %dma_wait3A_195] : memref<2x4096xf32, #tpu.memory_space<vmem>> -> memref<1x4096xf32, #tpu.memory_space<vmem>>
        %dma_wait3A_197 = tpu.memref_squeeze %dma_wait3A_196 : memref<1x4096xf32, #tpu.memory_space<vmem>> -> memref<4096xf32, #tpu.memory_space<vmem>>
        tpu.wait_dma2 semaphore(%dma_wait3A_191 : memref<!tpu.dma_semaphore, #tpu.memory_space<semaphore_mem>>) src(%dma_wait3A_197 : memref<4096xf32, #tpu.memory_space<vmem>>) dst(%dma_wait3A_194 : memref<4096xf32, #tpu.memory_space<hbm>>)
      } else {
      }
      %dma_wait3A_143 = arith.constant 0 : i32
      %dma_wait3A_144 = tpu.memref_slice %arg6[%rem3A_140, %dma_wait3A_143] : memref<2x4096xi32, #tpu.memory_space<vmem>> -> memref<1x4096xi32, #tpu.memory_space<vmem>>
      %dma_wait3A_145 = tpu.memref_squeeze %dma_wait3A_144 : memref<1x4096xi32, #tpu.memory_space<vmem>> -> memref<4096xi32, #tpu.memory_space<vmem>>
      %dma_wait3A_146 = arith.constant 0 : i32
      %dma_wait3A_147 = tpu.memref_slice %arg3[%scan3A_138, %dma_wait3A_146] : memref<50x4096xi32, #tpu.memory_space<hbm>> -> memref<1x4096xi32, #tpu.memory_space<hbm>>
      %dma_wait3A_148 = tpu.memref_squeeze %dma_wait3A_147 : memref<1x4096xi32, #tpu.memory_space<hbm>> -> memref<4096xi32, #tpu.memory_space<hbm>>
      %dma_wait3A_149 = tpu.memref_slice %arg8[%rem3A_140] : memref<2x!tpu.dma_semaphore, #tpu.memory_space<semaphore_mem>> -> memref<1x!tpu.dma_semaphore, #tpu.memory_space<semaphore_mem>>
      %dma_wait3A_150 = tpu.memref_squeeze %dma_wait3A_149 : memref<1x!tpu.dma_semaphore, #tpu.memory_space<semaphore_mem>> -> memref<!tpu.dma_semaphore, #tpu.memory_space<semaphore_mem>>
      %dma_wait3A_151 = arith.constant 0 : i32
      %dma_wait3A_152 = tpu.memref_slice %arg6[%rem3A_140, %dma_wait3A_151] : memref<2x4096xi32, #tpu.memory_space<vmem>> -> memref<1x4096xi32, #tpu.memory_space<vmem>>
      %dma_wait3A_153 = tpu.memref_squeeze %dma_wait3A_152 : memref<1x4096xi32, #tpu.memory_space<vmem>> -> memref<4096xi32, #tpu.memory_space<vmem>>
      %dma_wait3A_154 = arith.constant 0 : i32
      %dma_wait3A_155 = tpu.memref_slice %arg3[%scan3A_138, %dma_wait3A_154] : memref<50x4096xi32, #tpu.memory_space<hbm>> -> memref<1x4096xi32, #tpu.memory_space<hbm>>
      %dma_wait3A_156 = tpu.memref_squeeze %dma_wait3A_155 : memref<1x4096xi32, #tpu.memory_space<hbm>> -> memref<4096xi32, #tpu.memory_space<hbm>>
      tpu.wait_dma2 semaphore(%dma_wait3A_150 : memref<!tpu.dma_semaphore, #tpu.memory_space<semaphore_mem>>) src(%dma_wait3A_156 : memref<4096xi32, #tpu.memory_space<hbm>>) dst(%dma_wait3A_153 : memref<4096xi32, #tpu.memory_space<vmem>>)
      %add3A_157 = arith.constant 1 : i32
      %add3A_158 = arith.addi %scan3A_138, %add3A_157 : i32
      %lt3A = arith.constant 50 : i32
      %lt3A_159 = arith.cmpi slt, %add3A_158, %lt3A : i32
      %convert_element_type3A_160 = arith.extui %lt3A_159 : i1 to i32
      %cond3A_161 = arith.constant 0 : i32
      %cond3A_162 = arith.cmpi ne, %convert_element_type3A_160, %cond3A_161 : i32
      scf.if %cond3A_162 {
        %add3A_183 = arith.constant 1 : i32
        %add3A_184 = arith.addi %scan3A_138, %add3A_183 : i32
        %sub3A = arith.constant 1 : i32
        %sub3A_185 = arith.subi %sub3A, %rem3A_140 : i32
        %dma_start3A_186 = arith.constant 0 : i32
        %dma_start3A_187 = tpu.memref_slice %arg6[%sub3A_185, %dma_start3A_186] : memref<2x4096xi32, #tpu.memory_space<vmem>> -> memref<1x4096xi32, #tpu.memory_space<vmem>>
        %dma_start3A_188 = tpu.memref_squeeze %dma_start3A_187 : memref<1x4096xi32, #tpu.memory_space<vmem>> -> memref<4096xi32, #tpu.memory_space<vmem>>
        %dma_start3A_189 = arith.constant 0 : i32
        %dma_start3A_190 = tpu.memref_slice %arg3[%add3A_184, %dma_start3A_189] : memref<50x4096xi32, #tpu.memory_space<hbm>> -> memref<1x4096xi32, #tpu.memory_space<hbm>>
        %dma_start3A_191 = tpu.memref_squeeze %dma_start3A_190 : memref<1x4096xi32, #tpu.memory_space<hbm>> -> memref<4096xi32, #tpu.memory_space<hbm>>
        %dma_start3A_192 = tpu.memref_slice %arg8[%sub3A_185] : memref<2x!tpu.dma_semaphore, #tpu.memory_space<semaphore_mem>> -> memref<1x!tpu.dma_semaphore, #tpu.memory_space<semaphore_mem>>
        %dma_start3A_193 = tpu.memref_squeeze %dma_start3A_192 : memref<1x!tpu.dma_semaphore, #tpu.memory_space<semaphore_mem>> -> memref<!tpu.dma_semaphore, #tpu.memory_space<semaphore_mem>>
        %dma_start3A_194 = arith.constant 0 : i32
        %dma_start3A_195 = tpu.memref_slice %arg6[%sub3A_185, %dma_start3A_194] : memref<2x4096xi32, #tpu.memory_space<vmem>> -> memref<1x4096xi32, #tpu.memory_space<vmem>>
        %dma_start3A_196 = tpu.memref_squeeze %dma_start3A_195 : memref<1x4096xi32, #tpu.memory_space<vmem>> -> memref<4096xi32, #tpu.memory_space<vmem>>
        %dma_start3A_197 = arith.constant 0 : i32
        %dma_start3A_198 = tpu.memref_slice %arg3[%add3A_184, %dma_start3A_197] : memref<50x4096xi32, #tpu.memory_space<hbm>> -> memref<1x4096xi32, #tpu.memory_space<hbm>>
        %dma_start3A_199 = tpu.memref_squeeze %dma_start3A_198 : memref<1x4096xi32, #tpu.memory_space<hbm>> -> memref<4096xi32, #tpu.memory_space<hbm>>
        tpu.enqueue_dma source(%dma_start3A_199 : memref<4096xi32, #tpu.memory_space<hbm>>) target(%dma_start3A_196 : memref<4096xi32, #tpu.memory_space<vmem>>) target_semaphore(%dma_start3A_193 : memref<!tpu.dma_semaphore, #tpu.memory_space<semaphore_mem>>)
      } else {
      }
      %scan3A_163 = arith.constant 0 : i32
      %scan3A_164 = arith.constant 0 : i32
      %scan3A_165 = arith.constant 32 : i32
      %scan3A_166 = arith.addi %scan3A_164, %scan3A_165 : i32
      %scan3A_167 = arith.constant 1 : i32
      scf.for %scan3A_183 = %scan3A_164 to %scan3A_166 step %scan3A_167  : i32 {
        %mul3A_184 = arith.constant 128 : i32
        %mul3A_185 = arith.muli %scan3A_183, %mul3A_184 : i32
        %add3A_186 = arith.constant 0 : i32
        %add3A_187 = arith.addi %mul3A_185, %add3A_186 : i32
        %get3A_188 = arith.index_cast %rem3A_140 : i32 to index
        %get3A_189 = arith.index_cast %add3A_187 : i32 to index
        %get3A_190 = tpu.vector_load %arg6[%get3A_188, %get3A_189] {strides = array<i32>} : memref<2x4096xi32, #tpu.memory_space<vmem>>, vector<16xi32>,
        %gather3A = tpu.vector_load_idx %arg5[%get3A_190] : memref<101120xf32, #tpu.memory_space<vmem>>[vector<16xi32>], vector<16xf32>,
        %swap3A_191 = arith.index_cast %rem3A_140 : i32 to index
        %swap3A_192 = arith.index_cast %add3A_187 : i32 to index
        %swap3A_193 = tpu.vector_load %arg7[%swap3A_191, %swap3A_192] {strides = array<i32>} : memref<2x4096xf32, #tpu.memory_space<vmem>>, vector<16xf32>,
        tpu.vector_store %arg7[%swap3A_191, %swap3A_192], %gather3A {strides = array<i32>} : memref<2x4096xf32, #tpu.memory_space<vmem>>, vector<16xf32>,
        %add3A_194 = arith.constant 16 : i32
        %add3A_195 = arith.addi %mul3A_185, %add3A_194 : i32
        %get3A_196 = arith.index_cast %rem3A_140 : i32 to index
        %get3A_197 = arith.index_cast %add3A_195 : i32 to index
        %get3A_198 = tpu.vector_load %arg6[%get3A_196, %get3A_197] {strides = array<i32>} : memref<2x4096xi32, #tpu.memory_space<vmem>>, vector<16xi32>,
        %gather3A_199 = tpu.vector_load_idx %arg5[%get3A_198] : memref<101120xf32, #tpu.memory_space<vmem>>[vector<16xi32>], vector<16xf32>,
        %swap3A_200 = arith.index_cast %rem3A_140 : i32 to index
        %swap3A_201 = arith.index_cast %add3A_195 : i32 to index
        %swap3A_202 = tpu.vector_load %arg7[%swap3A_200, %swap3A_201] {strides = array<i32>} : memref<2x4096xf32, #tpu.memory_space<vmem>>, vector<16xf32>,
        tpu.vector_store %arg7[%swap3A_200, %swap3A_201], %gather3A_199 {strides = array<i32>} : memref<2x4096xf32, #tpu.memory_space<vmem>>, vector<16xf32>,
        %add3A_203 = arith.constant 32 : i32
        %add3A_204 = arith.addi %mul3A_185, %add3A_203 : i32
        %get3A_205 = arith.index_cast %rem3A_140 : i32 to index
        %get3A_206 = arith.index_cast %add3A_204 : i32 to index
        %get3A_207 = tpu.vector_load %arg6[%get3A_205, %get3A_206] {strides = array<i32>} : memref<2x4096xi32, #tpu.memory_space<vmem>>, vector<16xi32>,
        %gather3A_208 = tpu.vector_load_idx %arg5[%get3A_207] : memref<101120xf32, #tpu.memory_space<vmem>>[vector<16xi32>], vector<16xf32>,
        %swap3A_209 = arith.index_cast %rem3A_140 : i32 to index
        %swap3A_210 = arith.index_cast %add3A_204 : i32 to index
        %swap3A_211 = tpu.vector_load %arg7[%swap3A_209, %swap3A_210] {strides = array<i32>} : memref<2x4096xf32, #tpu.memory_space<vmem>>, vector<16xf32>,
        tpu.vector_store %arg7[%swap3A_209, %swap3A_210], %gather3A_208 {strides = array<i32>} : memref<2x4096xf32, #tpu.memory_space<vmem>>, vector<16xf32>,
        %add3A_212 = arith.constant 48 : i32
        %add3A_213 = arith.addi %mul3A_185, %add3A_212 : i32
        %get3A_214 = arith.index_cast %rem3A_140 : i32 to index
        %get3A_215 = arith.index_cast %add3A_213 : i32 to index
        %get3A_216 = tpu.vector_load %arg6[%get3A_214, %get3A_215] {strides = array<i32>} : memref<2x4096xi32, #tpu.memory_space<vmem>>, vector<16xi32>,
        %gather3A_217 = tpu.vector_load_idx %arg5[%get3A_216] : memref<101120xf32, #tpu.memory_space<vmem>>[vector<16xi32>], vector<16xf32>,
        %swap3A_218 = arith.index_cast %rem3A_140 : i32 to index
        %swap3A_219 = arith.index_cast %add3A_213 : i32 to index
        %swap3A_220 = tpu.vector_load %arg7[%swap3A_218, %swap3A_219] {strides = array<i32>} : memref<2x4096xf32, #tpu.memory_space<vmem>>, vector<16xf32>,
        tpu.vector_store %arg7[%swap3A_218, %swap3A_219], %gather3A_217 {strides = array<i32>} : memref<2x4096xf32, #tpu.memory_space<vmem>>, vector<16xf32>,
        %add3A_221 = arith.constant 64 : i32
        %add3A_222 = arith.addi %mul3A_185, %add3A_221 : i32
        %get3A_223 = arith.index_cast %rem3A_140 : i32 to index
        %get3A_224 = arith.index_cast %add3A_222 : i32 to index
        %get3A_225 = tpu.vector_load %arg6[%get3A_223, %get3A_224] {strides = array<i32>} : memref<2x4096xi32, #tpu.memory_space<vmem>>, vector<16xi32>,
        %gather3A_226 = tpu.vector_load_idx %arg5[%get3A_225] : memref<101120xf32, #tpu.memory_space<vmem>>[vector<16xi32>], vector<16xf32>,
        %swap3A_227 = arith.index_cast %rem3A_140 : i32 to index
        %swap3A_228 = arith.index_cast %add3A_222 : i32 to index
        %swap3A_229 = tpu.vector_load %arg7[%swap3A_227, %swap3A_228] {strides = array<i32>} : memref<2x4096xf32, #tpu.memory_space<vmem>>, vector<16xf32>,
        tpu.vector_store %arg7[%swap3A_227, %swap3A_228], %gather3A_226 {strides = array<i32>} : memref<2x4096xf32, #tpu.memory_space<vmem>>, vector<16xf32>,
        %add3A_230 = arith.constant 80 : i32
        %add3A_231 = arith.addi %mul3A_185, %add3A_230 : i32
        %get3A_232 = arith.index_cast %rem3A_140 : i32 to index
        %get3A_233 = arith.index_cast %add3A_231 : i32 to index
        %get3A_234 = tpu.vector_load %arg6[%get3A_232, %get3A_233] {strides = array<i32>} : memref<2x4096xi32, #tpu.memory_space<vmem>>, vector<16xi32>,
        %gather3A_235 = tpu.vector_load_idx %arg5[%get3A_234] : memref<101120xf32, #tpu.memory_space<vmem>>[vector<16xi32>], vector<16xf32>,
        %swap3A_236 = arith.index_cast %rem3A_140 : i32 to index
        %swap3A_237 = arith.index_cast %add3A_231 : i32 to index
        %swap3A_238 = tpu.vector_load %arg7[%swap3A_236, %swap3A_237] {strides = array<i32>} : memref<2x4096xf32, #tpu.memory_space<vmem>>, vector<16xf32>,
        tpu.vector_store %arg7[%swap3A_236, %swap3A_237], %gather3A_235 {strides = array<i32>} : memref<2x4096xf32, #tpu.memory_space<vmem>>, vector<16xf32>,
        %add3A_239 = arith.constant 96 : i32
        %add3A_240 = arith.addi %mul3A_185, %add3A_239 : i32
        %get3A_241 = arith.index_cast %rem3A_140 : i32 to index
        %get3A_242 = arith.index_cast %add3A_240 : i32 to index
        %get3A_243 = tpu.vector_load %arg6[%get3A_241, %get3A_242] {strides = array<i32>} : memref<2x4096xi32, #tpu.memory_space<vmem>>, vector<16xi32>,
        %gather3A_244 = tpu.vector_load_idx %arg5[%get3A_243] : memref<101120xf32, #tpu.memory_space<vmem>>[vector<16xi32>], vector<16xf32>,
        %swap3A_245 = arith.index_cast %rem3A_140 : i32 to index
        %swap3A_246 = arith.index_cast %add3A_240 : i32 to index
        %swap3A_247 = tpu.vector_load %arg7[%swap3A_245, %swap3A_246] {strides = array<i32>} : memref<2x4096xf32, #tpu.memory_space<vmem>>, vector<16xf32>,
        tpu.vector_store %arg7[%swap3A_245, %swap3A_246], %gather3A_244 {strides = array<i32>} : memref<2x4096xf32, #tpu.memory_space<vmem>>, vector<16xf32>,
        %add3A_248 = arith.constant 112 : i32
        %add3A_249 = arith.addi %mul3A_185, %add3A_248 : i32
        %get3A_250 = arith.index_cast %rem3A_140 : i32 to index
        %get3A_251 = arith.index_cast %add3A_249 : i32 to index
        %get3A_252 = tpu.vector_load %arg6[%get3A_250, %get3A_251] {strides = array<i32>} : memref<2x4096xi32, #tpu.memory_space<vmem>>, vector<16xi32>,
        %gather3A_253 = tpu.vector_load_idx %arg5[%get3A_252] : memref<101120xf32, #tpu.memory_space<vmem>>[vector<16xi32>], vector<16xf32>,
        %swap3A_254 = arith.index_cast %rem3A_140 : i32 to index
        %swap3A_255 = arith.index_cast %add3A_249 : i32 to index
        %swap3A_256 = tpu.vector_load %arg7[%swap3A_254, %swap3A_255] {strides = array<i32>} : memref<2x4096xf32, #tpu.memory_space<vmem>>, vector<16xf32>,
        tpu.vector_store %arg7[%swap3A_254, %swap3A_255], %gather3A_253 {strides = array<i32>} : memref<2x4096xf32, #tpu.memory_space<vmem>>, vector<16xf32>,
      }
      %scan3A_168 = arith.constant 32 : i32
      %dma_start3A_169 = arith.constant 0 : i32
      %dma_start3A_170 = tpu.memref_slice %arg7[%rem3A_140, %dma_start3A_169] : memref<2x4096xf32, #tpu.memory_space<vmem>> -> memref<1x4096xf32, #tpu.memory_space<vmem>>
      %dma_start3A_171 = tpu.memref_squeeze %dma_start3A_170 : memref<1x4096xf32, #tpu.memory_space<vmem>> -> memref<4096xf32, #tpu.memory_space<vmem>>
      %dma_start3A_172 = arith.constant 0 : i32
      %dma_start3A_173 = tpu.memref_slice %arg4[%scan3A_138, %add3A_67, %dma_start3A_172] : memref<50x64x4096xf32, #tpu.memory_space<hbm>> -> memref<1x1x4096xf32, #tpu.memory_space<hbm>>
      %dma_start3A_174 = tpu.memref_squeeze %dma_start3A_173 : memref<1x1x4096xf32, #tpu.memory_space<hbm>> -> memref<4096xf32, #tpu.memory_space<hbm>>
      %dma_start3A_175 = tpu.memref_slice %arg9[%rem3A_140] : memref<2x!tpu.dma_semaphore, #tpu.memory_space<semaphore_mem>> -> memref<1x!tpu.dma_semaphore, #tpu.memory_space<semaphore_mem>>
      %dma_start3A_176 = tpu.memref_squeeze %dma_start3A_175 : memref<1x!tpu.dma_semaphore, #tpu.memory_space<semaphore_mem>> -> memref<!tpu.dma_semaphore, #tpu.memory_space<semaphore_mem>>
      %dma_start3A_177 = arith.constant 0 : i32
      %dma_start3A_178 = tpu.memref_slice %arg4[%scan3A_138, %add3A_67, %dma_start3A_177] : memref<50x64x4096xf32, #tpu.memory_space<hbm>> -> memref<1x1x4096xf32, #tpu.memory_space<hbm>>
      %dma_start3A_179 = tpu.memref_squeeze %dma_start3A_178 : memref<1x1x4096xf32, #tpu.memory_space<hbm>> -> memref<4096xf32, #tpu.memory_space<hbm>>
      %dma_start3A_180 = arith.constant 0 : i32
      %dma_start3A_181 = tpu.memref_slice %arg7[%rem3A_140, %dma_start3A_180] : memref<2x4096xf32, #tpu.memory_space<vmem>> -> memref<1x4096xf32, #tpu.memory_space<vmem>>
      %dma_start3A_182 = tpu.memref_squeeze %dma_start3A_181 : memref<1x4096xf32, #tpu.memory_space<vmem>> -> memref<4096xf32, #tpu.memory_space<vmem>>
      tpu.enqueue_dma source(%dma_start3A_182 : memref<4096xf32, #tpu.memory_space<vmem>>) target(%dma_start3A_179 : memref<4096xf32, #tpu.memory_space<hbm>>) target_semaphore(%dma_start3A_176 : memref<!tpu.dma_semaphore, #tpu.memory_space<semaphore_mem>>)
    }
    %scan3A_101 = arith.constant 50 : i32
    %rem3A_102 = arith.constant 48 : i32
    %rem3A_103 = arith.constant 2 : i32
    %rem3A_104 = arith.remsi %rem3A_102, %rem3A_103 : i32
    %dma_wait3A_105 = arith.constant 48 : i32
    %dma_wait3A_106 = arith.constant 0 : i32
    %dma_wait3A_107 = tpu.memref_slice %arg7[%rem3A_104, %dma_wait3A_106] : memref<2x4096xf32, #tpu.memory_space<vmem>> -> memref<1x4096xf32, #tpu.memory_space<vmem>>
    %dma_wait3A_108 = tpu.memref_squeeze %dma_wait3A_107 : memref<1x4096xf32, #tpu.memory_space<vmem>> -> memref<4096xf32, #tpu.memory_space<vmem>>
    %dma_wait3A_109 = arith.constant 0 : i32
    %dma_wait3A_110 = tpu.memref_slice %arg4[%dma_wait3A_105, %add3A_67, %dma_wait3A_109] : memref<50x64x4096xf32, #tpu.memory_space<hbm>> -> memref<1x1x4096xf32, #tpu.memory_space<hbm>>
    %dma_wait3A_111 = tpu.memref_squeeze %dma_wait3A_110 : memref<1x1x4096xf32, #tpu.memory_space<hbm>> -> memref<4096xf32, #tpu.memory_space<hbm>>
    %dma_wait3A_112 = tpu.memref_slice %arg9[%rem3A_104] : memref<2x!tpu.dma_semaphore, #tpu.memory_space<semaphore_mem>> -> memref<1x!tpu.dma_semaphore, #tpu.memory_space<semaphore_mem>>
    %dma_wait3A_113 = tpu.memref_squeeze %dma_wait3A_112 : memref<1x!tpu.dma_semaphore, #tpu.memory_space<semaphore_mem>> -> memref<!tpu.dma_semaphore, #tpu.memory_space<semaphore_mem>>
    %dma_wait3A_114 = arith.constant 0 : i32
    %dma_wait3A_115 = tpu.memref_slice %arg4[%dma_wait3A_105, %add3A_67, %dma_wait3A_114] : memref<50x64x4096xf32, #tpu.memory_space<hbm>> -> memref<1x1x4096xf32, #tpu.memory_space<hbm>>
    %dma_wait3A_116 = tpu.memref_squeeze %dma_wait3A_115 : memref<1x1x4096xf32, #tpu.memory_space<hbm>> -> memref<4096xf32, #tpu.memory_space<hbm>>
    %dma_wait3A_117 = arith.constant 0 : i32
    %dma_wait3A_118 = tpu.memref_slice %arg7[%rem3A_104, %dma_wait3A_117] : memref<2x4096xf32, #tpu.memory_space<vmem>> -> memref<1x4096xf32, #tpu.memory_space<vmem>>
    %dma_wait3A_119 = tpu.memref_squeeze %dma_wait3A_118 : memref<1x4096xf32, #tpu.memory_space<vmem>> -> memref<4096xf32, #tpu.memory_space<vmem>>
    tpu.wait_dma2 semaphore(%dma_wait3A_113 : memref<!tpu.dma_semaphore, #tpu.memory_space<semaphore_mem>>) src(%dma_wait3A_119 : memref<4096xf32, #tpu.memory_space<vmem>>) dst(%dma_wait3A_116 : memref<4096xf32, #tpu.memory_space<hbm>>)
    %rem3A_120 = arith.constant 49 : i32
    %rem3A_121 = arith.constant 2 : i32
    %rem3A_122 = arith.remsi %rem3A_120, %rem3A_121 : i32
    %dma_wait3A_123 = arith.constant 49 : i32
    %dma_wait3A_124 = arith.constant 0 : i32
    %dma_wait3A_125 = tpu.memref_slice %arg7[%rem3A_122, %dma_wait3A_124] : memref<2x4096xf32, #tpu.memory_space<vmem>> -> memref<1x4096xf32, #tpu.memory_space<vmem>>
    %dma_wait3A_126 = tpu.memref_squeeze %dma_wait3A_125 : memref<1x4096xf32, #tpu.memory_space<vmem>> -> memref<4096xf32, #tpu.memory_space<vmem>>
    %dma_wait3A_127 = arith.constant 0 : i32
    %dma_wait3A_128 = tpu.memref_slice %arg4[%dma_wait3A_123, %add3A_67, %dma_wait3A_127] : memref<50x64x4096xf32, #tpu.memory_space<hbm>> -> memref<1x1x4096xf32, #tpu.memory_space<hbm>>
    %dma_wait3A_129 = tpu.memref_squeeze %dma_wait3A_128 : memref<1x1x4096xf32, #tpu.memory_space<hbm>> -> memref<4096xf32, #tpu.memory_space<hbm>>
    %dma_wait3A_130 = tpu.memref_slice %arg9[%rem3A_122] : memref<2x!tpu.dma_semaphore, #tpu.memory_space<semaphore_mem>> -> memref<1x!tpu.dma_semaphore, #tpu.memory_space<semaphore_mem>>
    %dma_wait3A_131 = tpu.memref_squeeze %dma_wait3A_130 : memref<1x!tpu.dma_semaphore, #tpu.memory_space<semaphore_mem>> -> memref<!tpu.dma_semaphore, #tpu.memory_space<semaphore_mem>>
    %dma_wait3A_132 = arith.constant 0 : i32
    %dma_wait3A_133 = tpu.memref_slice %arg4[%dma_wait3A_123, %add3A_67, %dma_wait3A_132] : memref<50x64x4096xf32, #tpu.memory_space<hbm>> -> memref<1x1x4096xf32, #tpu.memory_space<hbm>>
    %dma_wait3A_134 = tpu.memref_squeeze %dma_wait3A_133 : memref<1x1x4096xf32, #tpu.memory_space<hbm>> -> memref<4096xf32, #tpu.memory_space<hbm>>
    %dma_wait3A_135 = arith.constant 0 : i32
    %dma_wait3A_136 = tpu.memref_slice %arg7[%rem3A_122, %dma_wait3A_135] : memref<2x4096xf32, #tpu.memory_space<vmem>> -> memref<1x4096xf32, #tpu.memory_space<vmem>>
    %dma_wait3A_137 = tpu.memref_squeeze %dma_wait3A_136 : memref<1x4096xf32, #tpu.memory_space<vmem>> -> memref<4096xf32, #tpu.memory_space<vmem>>
    tpu.wait_dma2 semaphore(%dma_wait3A_131 : memref<!tpu.dma_semaphore, #tpu.memory_space<semaphore_mem>>) src(%dma_wait3A_137 : memref<4096xf32, #tpu.memory_space<vmem>>) dst(%dma_wait3A_134 : memref<4096xf32, #tpu.memory_space<hbm>>)
    return
  }
}

</mosaic_0001>

<sc_bundles>
// kernel: kernel.3.cloned.1.call-start
scs
__scs_entry_jumppad:
0x0: {  	(pc) =	sbr.rel $0x88, $3  }
0x1: {  	(tag) =	ssettag $0x0;
	lr =	simm.s32 $0x1  }
0x2: {  	[smem:$0x3F9F] =	sst lr;
	_ =	strace $0xD0000000  }
0x3: {  	_ = 	snop  }
0x4: {  	_ = 	snop  }
0x5: {  	_ = 	snop  }
0x6: {  	_ = 	snop  }
0x7: {  	_ = 	snop  }
__scs_overlays_trampoline_lowered:
0x8: {  	[smem:$0x3FAE] =	sst s0  }
0x9: {  	[smem:$0x3FAF] =	sst s1  }
0xa: {  	[smem:$0x3FB0] =	sst s2  }
0xb: {  	[smem:$0x3FB1] =	sst s3  }
0xc: {  	[smem:$0x3FB2] =	sst s4  }
0xd: {  	[smem:$0x3FB3] =	sst s5  }
0xe: {  	[smem:$0x3FB4] =	sst s6  }
0xf: {  	[smem:$0x3FB5] =	sst s7  }
0x10: {  	[smem:$0x3FB6] =	sst s8  }
0x11: {  	[smem:$0x3FB7] =	sst s9;
	s0 =	simm.s32 @!p0 $0x0  }
0x12: {  	s1 =	sld [smem:$0x3F9D];
	s0 =	simm.s32 @p0 $0x1  }
0x13: {  	[smem:$0x3FB8] =	sst s0;
	s0 =	simm.s32 @!p1 $0x0  }
0x14: {  	s2 =	sld [smem:$0x3F9C];
	s0 =	simm.s32 @p1 $0x1  }
0x15: {  	[smem:$0x3FB9] =	sst s0;
	s0 =	simm.s32 @!p2 $0x0  }
0x16: {  	s3 =	sld [smem:$0x3FDB];
	s0 =	simm.s32 @p2 $0x1  }
0x17: {  	s4 =	simm.s32 $0x1BF5;
	[smem:$0x3FBB] =	sst s0  }
0x18: {  	s0 =	sld [smem:$0x3F9E];
	_ =	swait.ge [sflag:s4], $0x0  }
0x19: {  	s7 =	sld [smem:$0x3F9F]  }
0x1a: {  	s8 =	sadd.s32 $0xFFFFE003, lr  }
0x1b: {  	s9 =	sadd.s32 $0xFFFFFEF7, lr;
	s5 =	simm.s32 $0xFFFFFFFF;
	p2 =	slt.u32 s8, $0xFFFFF086  }
0x1c: {  	p1 =	slt.u32 s9, $0xF7A;
	s5 =	simm.s32 @!p2 $0x0  }
0x1d: {  	s5 =	simm.s32 @p1 $0x1;
	p0 =	seq.s32 s7, s2  }
0x1e: {  	s7 =	smul.u32 @!p0 $0xF7A, s2;
	p2 =	seq.s32 @!p0 s5, $0x0  }
0x1f: {  	s9 =	smul.u32 $0xF7A, s1;
	s8 =	simm.s32 @!p0 $0x1BF5;
	p2 =	por !p2, p0  }
0x20: {  	[sflag:s8] =	ssyncset.s32 @!p0 $0xFFFFF086;
	s6 =	sadd.s32 @!p0 s3, s7;
	s7 =	simm.s32 @!p0 $0x108  }
0x21: {  	s3 =	sadd.s32 s3, s9;
	s6 =	sadd.s32 @!p0 $0x88, s6;
	s7 =	simm.s32 @p2 $0x1082  }
0x22: {  	[simem:s7], [sflag:s8] =	dma.local @!p0 [hbm:s6], $0xF7A  }
0x23: {  	s9 =	sor.u32 $0xD0000000, s2;
	s6 =	simm.s32 $0x108;
	_ =	swait.ge @!p0 [sflag:s8], $0x0  }
0x24: {  	s3 =	sadd.s32 $0x88, s3;
	s6 =	simm.s32 @!p1 $0x1082;
	[sflag:s4] =	ssyncset.s32 $0xFFFFF086  }
0x25: {  	[simem:s6], [sflag:s4] =	dma.local [hbm:s3], $0xF7A  }
0x26: {  	[smem:$0x3F9F] =	sst s1;
	(tag) =	ssettag s2;
	_ =	strace s9  }
0x27: {  	s1 =	sld [smem:$0x3FAF]  }
0x28: {  	s2 =	sld [smem:$0x3FB0]  }
0x29: {  	s4 =	sld [smem:$0x3FB2]  }
0x2a: {  	p0 =	seq.s32 s5, $0x0;
	s5 =	sld [smem:$0x3FB3]  }
0x2b: {  	s6 =	sld [smem:$0x3FB4]  }
0x2c: {  	s7 =	sld [smem:$0x3FB5]  }
0x2d: {  	s3 =	simm.s32 $0x108;
	s8 =	sld [smem:$0x3FB6]  }
0x2e: {  	s3 =	simm.s32 @!p0 $0x1082;
	s9 =	sld [smem:$0x3FB7]  }
0x2f: {  	lr =	sadd.s32 s0, s3;
	s0 =	sld [smem:$0x3FAE]  }
0x30: {  	s3 =	sld [smem:$0x3FB1]  }
0x31: {  	[smem:$0x3FBA] =	sst s10  }
0x32: {  	s10 =	sld [smem:$0x3FB8];
	_ =	sdelay $0x3  }
0x33: {  	p0 =	seq.s32 s10, $0x1;
	s10 =	sld [smem:$0x3FBA];
	_ =	sdelay $0x3  }
0x34: {  	[smem:$0x3FBA] =	sst s10  }
0x35: {  	s10 =	sld [smem:$0x3FB9];
	_ =	sdelay $0x3  }
0x36: {  	p1 =	seq.s32 s10, $0x1;
	s10 =	sld [smem:$0x3FBA];
	_ =	sdelay $0x3  }
0x37: {  	[smem:$0x3FBA] =	sst s10  }
0x38: {  	s10 =	sld [smem:$0x3FBB]  }
0x39: {  	_ = 	snop;
	(pc) =	sbr.ind lr, $3  }
0x3a: {  	_ = 	snop  }
0x3b: {  	_ = 	snop  }
0x3c: {  	p2 =	seq.s32 s10, $0x1;
	s10 =	sld [smem:$0x3FBA]  }
0x3d: {  	_ =	shalt  }
0x3e: {  	_ =	shalt  }
0x3f: {  	_ =	shalt  }
0x40: {  	_ =	shalt  }
0x41: {  	_ =	shalt  }
0x42: {  	_ =	shalt  }
0x43: {  	_ =	shalt  }
0x44: {  	_ =	shalt  }
0x45: {  	_ =	shalt  }
0x46: {  	_ =	shalt  }
0x47: {  	_ =	shalt  }
0x48: {  	_ =	shalt  }
0x49: {  	_ =	shalt  }
0x4a: {  	_ =	shalt  }
0x4b: {  	_ =	shalt  }
0x4c: {  	_ =	shalt  }
0x4d: {  	_ =	shalt  }
0x4e: {  	_ =	shalt  }
0x4f: {  	_ =	shalt  }
0x50: {  	_ =	shalt  }
0x51: {  	_ =	shalt  }
0x52: {  	_ =	shalt  }
0x53: {  	_ =	shalt  }
0x54: {  	_ =	shalt  }
0x55: {  	_ =	shalt  }
0x56: {  	_ =	shalt  }
0x57: {  	_ =	shalt  }
0x58: {  	_ =	shalt  }
0x59: {  	_ =	shalt  }
0x5a: {  	_ =	shalt  }
0x5b: {  	_ =	shalt  }
0x5c: {  	_ =	shalt  }
0x5d: {  	_ =	shalt  }
0x5e: {  	_ =	shalt  }
0x5f: {  	_ =	shalt  }
0x60: {  	_ =	shalt  }
0x61: {  	_ =	shalt  }
0x62: {  	_ =	shalt  }
0x63: {  	_ =	shalt  }
0x64: {  	_ =	shalt  }
0x65: {  	_ =	shalt  }
0x66: {  	_ =	shalt  }
0x67: {  	_ =	shalt  }
0x68: {  	_ =	shalt  }
0x69: {  	_ =	shalt  }
0x6a: {  	_ =	shalt  }
0x6b: {  	_ =	shalt  }
0x6c: {  	_ =	shalt  }
0x6d: {  	_ =	shalt  }
0x6e: {  	_ =	shalt  }
0x6f: {  	_ =	shalt  }
0x70: {  	_ =	shalt  }
0x71: {  	_ =	shalt  }
0x72: {  	_ =	shalt  }
0x73: {  	_ =	shalt  }
0x74: {  	_ =	shalt  }
0x75: {  	_ =	shalt  }
0x76: {  	_ =	shalt  }
0x77: {  	_ =	shalt  }
0x78: {  	_ =	shalt  }
0x79: {  	_ =	shalt  }
0x7a: {  	_ =	shalt  }
0x7b: {  	_ =	shalt  }
0x7c: {  	_ =	shalt  }
0x7d: {  	_ =	shalt  }
0x7e: {  	_ =	shalt  }
0x7f: {  	_ =	shalt  }
0x80: {  	_ =	shalt  }
0x81: {  	_ =	shalt  }
0x82: {  	_ =	shalt  }
0x83: {  	_ =	shalt  }
0x84: {  	_ =	shalt  }
0x85: {  	_ =	shalt  }
0x86: {  	_ =	shalt  }
0x87: {  	_ =	shalt  }
.Lfunc_end0:
.L_simem_size_0:
called_computation_lowered:
.L_overlay_start_0:
0x88: {  	s2 =	sld [smem:$0x3FD9]  }
0x89: {  	s3 =	sld [smem:$0x3FFE];
	_ =	sdelay $0x1  }
0x8a: {  	s1 =	srdreg.scid  }
0x8b: {  	s0 =	sand.u32 $0x1, s1  }
0x8c: {  	s17 =	sshll.u32 s0, $0xA;
	s2 =	sadd.s32 s3, s2  }
0x8d: {  	s2 =	sadd.s32 s2, s17  }
0x8e: {  	[smem:$0x3FC6] =	sst s2  }
0x8f: {  	_ = 	snop  }
0x90: {  	s2 =	sld [smem:$0x3FD0];
	(tm) =	ssettm $0x1  }
0x91: {  	s18 =	sld [smem:$0x3FFB];
	_ =	sdelay $0x3  }
0x92: {  	_ =	strace s18  }
0x93: {  	s3 =	sld [smem:$0x3FFC];
	_ =	sdelay $0x3  }
0x94: {  	_ =	strace s3  }
0x95: {  	s3 =	sld [smem:$0x3FFD];
	_ =	sdelay $0x3  }
0x96: {  	_ =	strace s3  }
0x97: {  	_ =	strace $0x8FFFFFFF  }
0x98: {  	s19 =	sld [smem:$0x3FDB];
	_ =	sdelay $0x1  }
0x99: {  	s4 =	simm.s32 $_scs_section_size  }
0x9a: {  	s5 =	simm.s32 $_size__tile_overlayer_lowered;
	s6 =	simm.s32 $_tile_overlayer_lowered  }
0x9b: {  	s22 =	simm.s32 $0x1BFF;
	s21 =	sshll.u32 s6, $0x1;
	s3 =	sadd.s32 s4, s19  }
0x9c: {  	s7 =	simm.s32 $0x0;
	s20 =	sshll.u32 s5, $0x1;
	s5 =	sadd.s32 s21, s3  }
0x9d: {  	[timem:s7], [sflag:s22] =	dma.local [hbm:s5], s20  }
0x9e: {  	_ =	swait.ge [sflag:s22], s20  }
0x9f: {  	s4 =	ssub.s32 $0x0, s20;
	[sflag:s22] =	ssyncset.done $0x0  }
0xa0: {  	[sflag:s22] =	ssyncadd.s32 s4;
	_ =	sdelay $0x1  }
0xa1: {  	s23 =	simm.s32 $0x1B8B  }
0xa2: {  	_ =	swait.ge [sflag:s23], $0x1  }
0xa3: {  	[sflag:s23] =	ssyncset.done $0x0  }
0xa4: {  	s25 =	simm.s32 $0x1B8E;
	s24 =	sld [smem:$0x3FFE];
	[sflag:s23] =	ssyncadd.s32 $0xFFFFFFFF  }
0xa5: {  	s26 =	simm.s32 $execute0_lowered;
	[smem:$0x3FD2] =	sst s25  }
0xa6: {  	s5 =	sshll.u32 s26, $0x1;
	_ =	strace $0x80000046;
	[dreg:$0x1] =	wrdreg $0xFFFFFFFF  }
0xa7: {  	s28 =	simm.s32 $_size_execute0_lowered;
	s3 =	sadd.s32 s3, s5;
	[dreg:$0x0] =	wrdreg $0x0  }
0xa8: {  	s5 =	sshll.u32 s28, $0x1;
	[dreg:$0x2] =	wrdreg s3  }
0xa9: {  	[dreg:$0x3] =	wrdreg s5  }
0xaa: {  	[dreg:$0x4] =	wrdreg $0xC0  }
0xab: {  	_ =	task [dreg:s7], $0x5FFFF  }
0xac: {  	[dreg:$0x1] =	wrdreg $0xFFFFFFFF  }
0xad: {  	[dreg:$0x0] =	wrdreg $0x60  }
0xae: {  	[dreg:$0x2] =	wrdreg s2  }
0xaf: {  	[dreg:$0x3] =	wrdreg s24  }
0xb0: {  	[dreg:$0x4] =	wrdreg $0x9  }
0xb1: {  	_ =	task.clear_ibuf [dreg:s7], $0x5FFFF;
	_ =	strace $0x90000046  }
0xb2: {  	s29 =	simm.s32 $0x9;
	_ =	strace $0x80000048  }
0xb3: {  	_ =	swait.ge [sflag:s29], $0x1  }
0xb4: {  	[sflag:s29] =	ssyncadd.s32 $0xFFFFFFFF  }
0xb5: {  	_ =	strace $0x90000048  }
0xb6: {  	_ =	sfence  }
0xb7: {  	s30 =	sld [smem:$0x0];
	_ =	sdelay $0x2  }
0xb8: {  	s31 =	sshll.u32 s1, $0xD;
	s1 =	sshrl.u32 s1, $0x2  }
0xb9: {  	s3 =	sand.u32 $0x4000, s31;
	s1 =	sadd.s32 s1, s30  }
0xba: {  	s0 =	sor.u32 s3, s0;
	s1 =	sshll.u32 s1, $0x11  }
0xbb: {  	s0 =	sor.u32 s1, s0  }
0xbc: {  	s0 =	sadd.s32 $0x8F2B, s0  }
0xbd: {  	[sflag:s0] =	ssyncadd.remote.s32 $0x1  }
0xbe: {  	_ =	sfence.sel $0xFFFF  }
0xbf: {  	[dreg:$0x0] =	wrdreg $0xFFFFFFFF;
	(pc) =	sbr.abs _section_cstart, $3  }
0xc0: {  	[dreg:$0x1] =	wrdreg $0xFFFFFFFF  }
0xc1: {  	_ =	task.clear_ibuf [dreg:s7], $0x2FFFF;
	_ =	strace $0x9FFFFFFF  }
0xc2: {  	(tm) =	ssettm $0x7FFFFFFF  }
0xc3: {  	_ =	shalt  }
tec
execute0_lowered:
.L_overlay_start_1:
0x0: {  	(tag) =	ssettag $0x1  }
0x1: {  	s6 =	rddreg [dreg:$0x0]  }
0x2: {  	s4 =	rddreg [dreg:$0x1]  }
0x3: {  	s0 =	rddreg [dreg:$0x2];
	s2 =	simm.s32 $0x0;
	s3 =	srdreg.scid  }
0x4: {  	s1 =	stileid.u32;
	s13 =	simm.s32 $0x0;
	[smem:$0x7FF] =	sst s2  }
0x5: {  	s5 =	sand.u32 $0x1, s3;
	s7 =	sshll.u32 s1, $0x2;
	s3 =	sadd.s32 $0x400, s4  }
0x6: {  	s11 =	sadd.s32 $0x6800, s4;
	s8 =	sshll.u32 s5, $0x1;
	s5 =	ssub.s32 $0x2, s5  }
0x7: {  	_ =	strace $0x80000047;
	s7 =	sor.u32 s8, s7;
	s29 =	sshrl.u32 s5, $0x1  }
0x8: {  	s9 =	smul.u32 $0x3160, s7;
	s10 =	sor.u32 $0x1, s7;
	s8 =	ssub.s32 s5, s29  }
0x9: {  	s30 =	sshll.u32 s7, $0x9;
	s12 =	smul.u32 $0x3160, s10;
	s31 =	sshll.u32 s10, $0x9  }
0xa: {  	s5 =	sadd.s32 s11, s30;
	s8 =	smax.u32 s8, $0x1;
	s10 =	simm.s32 $0x18B00  }
0xb: {  	s4 =	sadd.s32 s6, s9;
	s7 =	sadd.s32 s11, s31;
	s9 =	simm.s32 $0x5  }
0xc: {  	v0 =	vlaneseq.u32;
	s11 =	simm.s32 $0x3;
	s6 =	sadd.s32 s6, s12;
	s12 =	simm.s32 $0x4  }
.LBB2_1:
0xd: {  	[tilespmem:s2], [sflag:$0x5] =	stream.linear.gather [hbm4b:s4+s2], $0x18B00, $0x38;
	[tilespmem:$0x1CB00] =	vst v63  }
0xe: {  	_ =	swait.ge [sflag:s9], $0x18B00  }
0xf: {  	[sflag:s9] =	ssyncset.done $0x0  }
0x10: {  	[sflag:s9] =	ssyncadd.s32 $0xFFFE7500  }
0x11: {  	v1 =	vld [tilespmem:$0x0];
	_ =	sdelay $0x3  }
0x12: {  	vm0 =	veq.s32 v0, $0x0  }
0x13: {  	v1 =	vsel vm0, $0x0, v1  }
0x14: {  	p0 =	por $0x0, $0x0;
	s14 =	simm.s32 $0x0;
	[tilespmem:$0x0] =	vst v1  }
0x15: {  	[tilespmem:s10], [sflag:$0x1] =	stream.linear.gather [hbm4b:s3+s2], $0x1000, $0x38;
	[tilespmem:$0x1CB00] =	vst v63  }
.LBB2_2:
0x16: {  	s15 =	sand.u32 $0x1, s14;
	p1 =	slt.u32 s14, $0x2;
	s17 =	simm.s32 $0x1  }
0x17: {  	s16 =	sadd.s32 @!p1 $0x3, s15;
	s17 =	simm.s32 @!p0 $0x0  }
0x18: {  	_ =	swait.ge @!p1 [sflag:s16], $0x1000;
	s17 =	sshll.u32 s17, $0xC  }
0x19: {  	s18 =	sadd.s32 $0x1, s15;
	[sflag:s16] =	ssyncset.done @!p1 $0x0;
	s30 =	sor.u32 $0x18B40, s17  }
0x1a: {  	s31 =	sor.u32 $0x1AB70, s17;
	[sflag:s16] =	ssyncadd.s32 @!p1 $0xFFFFF000;
	p1 =	seq.s32 s14, $0x31  }
0x1b: {  	s17 =	simm.s32 $0x0;
	_ =	swait.ge [sflag:s18], $0x1000;
	s19 =	sxor.u32 @!p1 $0x1, s15  }
0x1c: {  	s16 =	sadd.s32 $0x1, s14;
	v1 =	vmov s30;
	[sflag:s18] =	ssyncset.done $0x0;
	s20 =	sshll.u32 @!p1 s19, $0xC  }
0x1d: {  	[sflag:s18] =	ssyncadd.s32 $0xFFFFF000;
	s18 =	sor.u32 @!p1 $0x18B00, s20;
	s20 =	sshll.u32 @!p1 s16, $0x9  }
0x1e: {  	s21 =	simm.s32 @!p1 $0x0;
	s19 =	sadd.s32 @!p1 $0x1, s19;
	s20 =	sadd.s32 @!p1 s3, s20  }
0x1f: {  	v2 =	vmov s31;
	[tilespmem:s18], [sflag:s19] =	stream.linear.gather @!p1 [hbm4b:s20+s21], $0x1000, $0x38;
	[tilespmem:$0x1CB00] =	vst v63  }
.LBB2_3:
0x20: {  	s18 =	sshra.s32 s17, $0x2  }
0x21: {  	v3 =	vld.idx.msk [tilespmem:v1+s18+$0xFFFFFFC0 ss:$0x1], $0xffff;
	_ =	sdelay $0x7  }
0x22: {  	v3 =	vld.idx.msk [tilespmem:v3+s2+$0x0], $0xffff;
	_ =	sdelay $0x4  }
0x23: {  	[tilespmem:v2+s18+$0xFFFFFF90 ss:$0x1] =	vst.idx.msk $0xffff, v3  }
0x24: {  	v3 =	vld.idx.msk [tilespmem:v1+s18+$0xFFFFFFD0 ss:$0x1], $0xffff;
	_ =	sdelay $0x7  }
0x25: {  	v3 =	vld.idx.msk [tilespmem:v3+s2+$0x0], $0xffff;
	_ =	sdelay $0x4  }
0x26: {  	[tilespmem:v2+s18+$0xFFFFFFA0 ss:$0x1] =	vst.idx.msk $0xffff, v3  }
0x27: {  	v3 =	vld.idx.msk [tilespmem:v1+s18+$0xFFFFFFE0 ss:$0x1], $0xffff;
	_ =	sdelay $0x7  }
0x28: {  	v3 =	vld.idx.msk [tilespmem:v3+s2+$0x0], $0xffff;
	_ =	sdelay $0x4  }
0x29: {  	[tilespmem:v2+s18+$0xFFFFFFB0 ss:$0x1] =	vst.idx.msk $0xffff, v3  }
0x2a: {  	v3 =	vld.idx.msk [tilespmem:v1+s18+$0xFFFFFFF0 ss:$0x1], $0xffff;
	_ =	sdelay $0x7  }
0x2b: {  	v3 =	vld.idx.msk [tilespmem:v3+s2+$0x0], $0xffff;
	_ =	sdelay $0x4  }
0x2c: {  	[tilespmem:v2+s18+$0xFFFFFFC0 ss:$0x1] =	vst.idx.msk $0xffff, v3  }
0x2d: {  	v3 =	vld.idx.msk [tilespmem:v1+s18+$0x0 ss:$0x1], $0xffff;
	_ =	sdelay $0x7  }
0x2e: {  	v3 =	vld.idx.msk [tilespmem:v3+s2+$0x0], $0xffff;
	_ =	sdelay $0x4  }
0x2f: {  	[tilespmem:v2+s18+$0xFFFFFFD0 ss:$0x1] =	vst.idx.msk $0xffff, v3  }
0x30: {  	v3 =	vld.idx.msk [tilespmem:v1+s18+$0x10 ss:$0x1], $0xffff;
	_ =	sdelay $0x7  }
0x31: {  	v3 =	vld.idx.msk [tilespmem:v3+s2+$0x0], $0xffff;
	_ =	sdelay $0x4  }
0x32: {  	[tilespmem:v2+s18+$0xFFFFFFE0 ss:$0x1] =	vst.idx.msk $0xffff, v3  }
0x33: {  	v3 =	vld.idx.msk [tilespmem:v1+s18+$0x20 ss:$0x1], $0xffff;
	_ =	sdelay $0x7  }
0x34: {  	v3 =	vld.idx.msk [tilespmem:v3+s2+$0x0], $0xffff;
	_ =	sdelay $0x4  }
0x35: {  	[tilespmem:v2+s18+$0xFFFFFFF0 ss:$0x1] =	vst.idx.msk $0xffff, v3  }
0x36: {  	v3 =	vld.idx.msk [tilespmem:v1+s18+$0x30 ss:$0x1], $0xffff;
	_ =	sdelay $0x7  }
0x37: {  	p1 =	sne.s32 s17, $0x3E00;
	v3 =	vld.idx.msk [tilespmem:v3+s2+$0x0], $0xffff  }
.Ltmp0:
0x38: {  	_ = 	snop;
	(pc) =	sbr.rel @p1 .LBB2_3-.Ltmp0, $2  }
0x39: {  	_ =	sdelay $0x2  }
0x3a: {  	s17 =	sadd.s32 $0x200, s17;
	[tilespmem:v2+s18+$0x0 ss:$0x1] =	vst.idx.msk $0xffff, v3  }
0x3b: {  	p1 =	sne.s32 s16, $0x32  }
.Ltmp1:
0x3c: {  	_ = 	snop;
	(pc) =	sbr.rel @p1 .LBB2_2-.Ltmp1, $4  }
0x3d: {  	s14 =	sshll.u32 s14, $0xF;
	s17 =	sshll.u32 s15, $0xC  }
0x3e: {  	s31 =	sadd.s32 $0x3, s15;
	s14 =	sadd.s32 s14, s5;
	s17 =	sor.u32 $0x1AB00, s17  }
0x3f: {  	[hbm4b:s14+s2] =	stream.linear.scatter [tilespmem:s17], [sflag:s31], $0x1000, $0x38;
	[tilespmem:$0x1CB00] =	vst v63  }
0x40: {  	p0 =	por !p0, !p0;
	s14 =	smov.u32 s16  }
0x41: {  	_ =	swait.ge [sflag:s11], $0x1000  }
0x42: {  	[sflag:s11] =	ssyncset.done $0x0  }
0x43: {  	[sflag:s11] =	ssyncadd.s32 $0xFFFFF000  }
0x44: {  	_ =	swait.ge [sflag:s12], $0x1000  }
0x45: {  	[sflag:s12] =	ssyncset.done $0x0  }
0x46: {  	s14 =	simm.s32 $0x0;
	[sflag:s12] =	ssyncadd.s32 $0xFFFFF000  }
0x47: {  	[tilespmem:s14], [sflag:$0x5] =	stream.linear.gather [hbm4b:s6+s14], $0x18B00, $0x38;
	[tilespmem:$0x1CB00] =	vst v63  }
0x48: {  	_ =	swait.ge [sflag:s9], $0x18B00  }
0x49: {  	[sflag:s9] =	ssyncset.done $0x0  }
0x4a: {  	[sflag:s9] =	ssyncadd.s32 $0xFFFE7500  }
0x4b: {  	v1 =	vld [tilespmem:$0x0];
	_ =	sdelay $0x3  }
0x4c: {  	vm0 =	veq.s32 v0, $0x0  }
0x4d: {  	v1 =	vsel vm0, $0x0, v1  }
0x4e: {  	p0 =	por $0x0, $0x0;
	[tilespmem:$0x0] =	vst v1  }
0x4f: {  	[tilespmem:s10], [sflag:$0x1] =	stream.linear.gather [hbm4b:s3+s14], $0x1000, $0x38;
	[tilespmem:$0x1CB00] =	vst v63  }
.LBB2_6:
0x50: {  	s15 =	sand.u32 $0x1, s14;
	p1 =	slt.u32 s14, $0x2;
	s17 =	simm.s32 $0x1  }
0x51: {  	s16 =	sadd.s32 @!p1 $0x3, s15;
	s17 =	simm.s32 @!p0 $0x0  }
0x52: {  	_ =	swait.ge @!p1 [sflag:s16], $0x1000;
	s17 =	sshll.u32 s17, $0xC  }
0x53: {  	s18 =	sadd.s32 $0x1, s15;
	[sflag:s16] =	ssyncset.done @!p1 $0x0;
	s31 =	sor.u32 $0x18B40, s17  }
0x54: {  	s17 =	sor.u32 $0x1AB70, s17;
	[sflag:s16] =	ssyncadd.s32 @!p1 $0xFFFFF000;
	p1 =	seq.s32 s14, $0x31  }
0x55: {  	s16 =	sadd.s32 $0x1, s14;
	_ =	swait.ge [sflag:s18], $0x1000;
	s19 =	sxor.u32 @!p1 $0x1, s15  }
0x56: {  	v1 =	vmov s31;
	v2 =	vmov s17;
	s17 =	simm.s32 $0x0;
	[sflag:s18] =	ssyncset.done $0x0;
	s20 =	sshll.u32 @!p1 s19, $0xC  }
0x57: {  	[sflag:s18] =	ssyncadd.s32 $0xFFFFF000;
	s18 =	sor.u32 @!p1 $0x18B00, s20;
	s20 =	sshll.u32 @!p1 s16, $0x9  }
0x58: {  	s21 =	simm.s32 @!p1 $0x0;
	s19 =	sadd.s32 @!p1 $0x1, s19;
	s20 =	sadd.s32 @!p1 s3, s20  }
0x59: {  	[tilespmem:s18], [sflag:s19] =	stream.linear.gather @!p1 [hbm4b:s20+s21], $0x1000, $0x38;
	[tilespmem:$0x1CB00] =	vst v63  }
.LBB2_7:
0x5a: {  	s18 =	sshra.s32 s17, $0x2  }
0x5b: {  	v3 =	vld.idx.msk [tilespmem:v1+s18+$0xFFFFFFC0 ss:$0x1], $0xffff;
	_ =	sdelay $0x7  }
0x5c: {  	v3 =	vld.idx.msk [tilespmem:v3+s2+$0x0], $0xffff;
	_ =	sdelay $0x4  }
0x5d: {  	[tilespmem:v2+s18+$0xFFFFFF90 ss:$0x1] =	vst.idx.msk $0xffff, v3  }
0x5e: {  	v3 =	vld.idx.msk [tilespmem:v1+s18+$0xFFFFFFD0 ss:$0x1], $0xffff;
	_ =	sdelay $0x7  }
0x5f: {  	v3 =	vld.idx.msk [tilespmem:v3+s2+$0x0], $0xffff;
	_ =	sdelay $0x4  }
0x60: {  	[tilespmem:v2+s18+$0xFFFFFFA0 ss:$0x1] =	vst.idx.msk $0xffff, v3  }
0x61: {  	v3 =	vld.idx.msk [tilespmem:v1+s18+$0xFFFFFFE0 ss:$0x1], $0xffff;
	_ =	sdelay $0x7  }
0x62: {  	v3 =	vld.idx.msk [tilespmem:v3+s2+$0x0], $0xffff;
	_ =	sdelay $0x4  }
0x63: {  	[tilespmem:v2+s18+$0xFFFFFFB0 ss:$0x1] =	vst.idx.msk $0xffff, v3  }
0x64: {  	v3 =	vld.idx.msk [tilespmem:v1+s18+$0xFFFFFFF0 ss:$0x1], $0xffff;
	_ =	sdelay $0x7  }
0x65: {  	v3 =	vld.idx.msk [tilespmem:v3+s2+$0x0], $0xffff;
	_ =	sdelay $0x4  }
0x66: {  	[tilespmem:v2+s18+$0xFFFFFFC0 ss:$0x1] =	vst.idx.msk $0xffff, v3  }
0x67: {  	v3 =	vld.idx.msk [tilespmem:v1+s18+$0x0 ss:$0x1], $0xffff;
	_ =	sdelay $0x7  }
0x68: {  	v3 =	vld.idx.msk [tilespmem:v3+s2+$0x0], $0xffff;
	_ =	sdelay $0x4  }
0x69: {  	[tilespmem:v2+s18+$0xFFFFFFD0 ss:$0x1] =	vst.idx.msk $0xffff, v3  }
0x6a: {  	v3 =	vld.idx.msk [tilespmem:v1+s18+$0x10 ss:$0x1], $0xffff;
	_ =	sdelay $0x7  }
0x6b: {  	v3 =	vld.idx.msk [tilespmem:v3+s2+$0x0], $0xffff;
	_ =	sdelay $0x4  }
0x6c: {  	[tilespmem:v2+s18+$0xFFFFFFE0 ss:$0x1] =	vst.idx.msk $0xffff, v3  }
0x6d: {  	v3 =	vld.idx.msk [tilespmem:v1+s18+$0x20 ss:$0x1], $0xffff;
	_ =	sdelay $0x7  }
0x6e: {  	v3 =	vld.idx.msk [tilespmem:v3+s2+$0x0], $0xffff;
	_ =	sdelay $0x4  }
0x6f: {  	[tilespmem:v2+s18+$0xFFFFFFF0 ss:$0x1] =	vst.idx.msk $0xffff, v3  }
0x70: {  	v3 =	vld.idx.msk [tilespmem:v1+s18+$0x30 ss:$0x1], $0xffff;
	_ =	sdelay $0x7  }
0x71: {  	p1 =	sne.s32 s17, $0x3E00;
	v3 =	vld.idx.msk [tilespmem:v3+s2+$0x0], $0xffff  }
.Ltmp2:
0x72: {  	_ = 	snop;
	(pc) =	sbr.rel @p1 .LBB2_7-.Ltmp2, $2  }
0x73: {  	_ =	sdelay $0x2  }
0x74: {  	s17 =	sadd.s32 $0x200, s17;
	[tilespmem:v2+s18+$0x0 ss:$0x1] =	vst.idx.msk $0xffff, v3  }
0x75: {  	p1 =	sne.s32 s16, $0x32  }
.Ltmp3:
0x76: {  	_ = 	snop;
	(pc) =	sbr.rel @p1 .LBB2_6-.Ltmp3, $4  }
0x77: {  	s14 =	sshll.u32 s14, $0xF;
	s17 =	sshll.u32 s15, $0xC  }
0x78: {  	s31 =	sadd.s32 $0x3, s15;
	s14 =	sadd.s32 s14, s7;
	s17 =	sor.u32 $0x1AB00, s17  }
0x79: {  	[hbm4b:s14+s2] =	stream.linear.scatter [tilespmem:s17], [sflag:s31], $0x1000, $0x38;
	[tilespmem:$0x1CB00] =	vst v63  }
0x7a: {  	p0 =	por !p0, !p0;
	s14 =	smov.u32 s16  }
0x7b: {  	s13 =	sadd.s32 $0x1, s13  }
0x7c: {  	_ =	swait.ge [sflag:s11], $0x1000;
	p0 =	sne.s32 s13, s8  }
.Ltmp4:
0x7d: {  	[sflag:s11] =	ssyncset.done $0x0;
	(pc) =	sbr.rel @p0 .LBB2_1-.Ltmp4, $4  }
0x7e: {  	[sflag:s11] =	ssyncadd.s32 $0xFFFFF000  }
0x7f: {  	_ =	swait.ge [sflag:s12], $0x1000  }
0x80: {  	[sflag:s12] =	ssyncset.done $0x0  }
0x81: {  	[sflag:s12] =	ssyncadd.s32 $0xFFFFF000  }
0x82: {  	_ =	sfence.sel $0x180000  }
0x83: {  	[bflag:$0x0] =	sbarrier.arrive $0xFFFF  }
0x84: {  	p0 =	sne.s32 s1, $0x0;
	_ =	strace $0x90000047  }
0x85: {  	s0 =	sadd.s32 @!p0 $0x100000, s0;
	[bflag:$0x2] =	sbarrier.arrive $0xFFFF  }
0x86: {  	[sflag:s0] =	ssyncadd.tile.s32 @!p0 $0x1;
	_ =	shalt  }
.Lfunc_end2:
_tile_overlayer_lowered:
.L_overlay_start_2:
0x87: {  	(tag) =	ssettag $0x2  }
0x88: {  	s0 =	rddreg [dreg:$0x0];
	s2 =	stileid.u32  }
0x89: {  	s1 =	rddreg [dreg:$0x1];
	p0 =	sne.s32 s2, $0x0  }
0x8a: {  	s3 =	rddreg [dreg:$0x2];
	[bflag:$0x3] =	sbarrier.arrive $0xFFFF;
	s2 =	simm.s32 @!p0 $0x1C05  }
0x8b: {  	[timem:s3], [sflag:s2] =	dma.local @!p0 [hbm:s0], s1  }
0x8c: {  	s0 =	simm.s32 @!p0 $0x5  }
0x8d: {  	_ =	swait.ge @!p0 [sflag:s0], s1  }
0x8e: {  	s1 =	ssub.s32 @!p0 $0x0, s1;
	[sflag:s0] =	ssyncset.done @!p0 $0x0  }
0x8f: {  	[sflag:s0] =	ssyncadd.s32 @!p0 s1  }
0x90: {  	[bflag:$0x3] =	sbarrier.arrive $0xFFFF  }
0x91: {  	_ =	shalt  }

</sc_bundles>
